<compile_context>
chip_gen: v7x
topology: tpu7x:2x2x1
jax: 0.10.2.dev20260603
libtpu: 0.0.44.dev20260713+nightly
codegen_flags: <defaults>
</compile_context>

<pallas_src>
import functools

import jax
import jax.numpy as jnp
from jax import lax
from jax.experimental import pallas as pl
from jax.experimental.pallas import tpu as pltpu
from jax.experimental.pallas import tpu_sc as plsc

_N = 10000
_D = 128
_E = 320000
_G = 64

_NC = 2
_NS = 16
_NW = _NC * _NS
_EPW = _E // _NW
_CH = 80
_NCHUNK = _EPW // _CH
_NACC = 10240
_RPT = _NACC // _NS

_R = 2000
_NB = _N // _R


def _sc_agg(h, src, dst, zeros):
    mesh = plsc.VectorSubcoreMesh(
        core_axis_name="c", subcore_axis_name="s",
        num_cores=_NC, num_subcores=_NS)

    @functools.partial(
        pl.kernel,
        out_type=jax.ShapeDtypeStruct((_NC, _NACC, _D), jnp.float32),
        mesh=mesh,
        scratch_types=[
            pltpu.VMEM((_CH,), jnp.int32),
            pltpu.VMEM((_CH,), jnp.int32),
            pltpu.VMEM((_CH, _D), jnp.float32),
            pltpu.VMEM_SHARED((_NACC, _D), jnp.float32),
            pltpu.SemaphoreType.DMA,
        ],
    )
    def k(h_hbm, src_hbm, dst_hbm, z_hbm, out_hbm, src_v, dst_v, rows_v, acc, sem):
        c = lax.axis_index("c")
        s = lax.axis_index("s")
        wid = s * _NC + c
        row0 = s * _RPT
        pltpu.sync_copy(z_hbm.at[pl.ds(row0, _RPT)], acc.at[pl.ds(row0, _RPT)])
        plsc.subcore_barrier()
        e0 = wid * _EPW

        def body(i, carry):
            base = e0 + i * _CH
            pltpu.sync_copy(src_hbm.at[pl.ds(base, _CH)], src_v)
            pltpu.sync_copy(dst_hbm.at[pl.ds(base, _CH)], dst_v)
            pltpu.async_copy(h_hbm.at[src_v], rows_v, sem).wait()
            pltpu.sync_copy(rows_v, acc.at[dst_v], add=True)
            return carry

        lax.fori_loop(0, _NCHUNK, body, 0)
        plsc.subcore_barrier()
        pltpu.sync_copy(acc.at[pl.ds(row0, _RPT)],
                        out_hbm.at[c, pl.ds(row0, _RPT)])

    return k(h, src, dst, zeros)


def _tc_layer(h, p, W1, b1, W2, b2, gamma, beta):

    def body(h_ref, p0_ref, p1_ref, w1_ref, b1_ref, w2_ref, b2_ref,
             g_ref, be_ref, o_ref):
        t = h_ref[...] + p0_ref[0] + p1_ref[0]
        u = jnp.dot(t, w1_ref[...], preferred_element_type=jnp.float32,
                    precision=lax.Precision.HIGHEST) + b1_ref[...]
        u = jnp.maximum(u, 0.0)
        v = jnp.dot(u, w2_ref[...], preferred_element_type=jnp.float32,
                    precision=lax.Precision.HIGHEST) + b2_ref[...]
        r = jnp.maximum(v, 0.0)
        mu = jnp.mean(r, axis=1, keepdims=True)
        var = jnp.mean((r - mu) ** 2, axis=1, keepdims=True)
        o_ref[...] = (r - mu) * lax.rsqrt(var + 1e-5) * g_ref[...] + be_ref[...]

    full = pl.BlockSpec((_D, _D), lambda i: (0, 0))
    vec = pl.BlockSpec((1, _D), lambda i: (0, 0))
    return pl.pallas_call(
        body,
        grid=(_NB,),
        in_specs=[
            pl.BlockSpec((_R, _D), lambda i: (i, 0)),
            pl.BlockSpec((1, _R, _D), lambda i: (0, i, 0)),
            pl.BlockSpec((1, _R, _D), lambda i: (1, i, 0)),
            full, vec, full, vec, vec, vec,
        ],
        out_specs=pl.BlockSpec((_R, _D), lambda i: (i, 0)),
        out_shape=jax.ShapeDtypeStruct((_N, _D), jnp.float32),
    )(h, p, p, W1, b1, W2, b2, gamma, beta)


def _tc_final(h, p, batch_r, W1, b1, W2, b2, Wp1, bp1, Wp2p, bp2p):

    def body(h_ref, p0_ref, p1_ref, w1_ref, b1_ref, w2_ref, b2_ref,
             bat_ref, wp1_ref, bp1_ref, wp2_ref, bp2_ref,
             emb_ref, out_ref, sums, counts):
        i = pl.program_id(0)

        @pl.when(i == 0)
        def _init():
            sums[...] = jnp.zeros((_G, _D), jnp.float32)
            counts[...] = jnp.zeros((_G, _D), jnp.float32)

        t = h_ref[...] + p0_ref[0] + p1_ref[0]
        u = jnp.dot(t, w1_ref[...], preferred_element_type=jnp.float32,
                    precision=lax.Precision.HIGHEST) + b1_ref[...]
        u = jnp.maximum(u, 0.0)
        v = jnp.dot(u, w2_ref[...], preferred_element_type=jnp.float32,
                    precision=lax.Precision.HIGHEST) + b2_ref[...]
        r = jnp.maximum(v, 0.0)

        bidx = bat_ref[0, 0, :]
        gids = lax.broadcasted_iota(jnp.int32, (_R, _G), 1)
        onehot = (bidx[:, None] == gids).astype(jnp.float32)
        sums[...] += lax.dot_general(
            onehot, r, (((0,), (0,)), ((), ())),
            preferred_element_type=jnp.float32,
            precision=lax.Precision.HIGHEST)
        counts[...] += jnp.sum(onehot, axis=0)[:, None]

        @pl.when(i == _NB - 1)
        def _fin():
            pooled = sums[...] / jnp.maximum(counts[...], 1.0)
            emb_ref[...] = pooled
            z = jnp.dot(pooled, wp1_ref[...],
                        preferred_element_type=jnp.float32,
                        precision=lax.Precision.HIGHEST) + bp1_ref[...]
            z2 = jnp.dot(z, wp2_ref[...],
                         preferred_element_type=jnp.float32,
                         precision=lax.Precision.HIGHEST) + bp2_ref[...]
            col = lax.broadcasted_iota(jnp.int32, (_G, _D), 1)
            valid = col < 2
            zm = jnp.where(valid, z2, -jnp.inf)
            m = jnp.max(zm, axis=1, keepdims=True)
            lse = m + jnp.log(jnp.sum(
                jnp.where(valid, jnp.exp(zm - m), 0.0),
                axis=1, keepdims=True))
            out_ref[...] = jnp.where(valid, z2 - lse, 0.0)

    full = pl.BlockSpec((_D, _D), lambda i: (0, 0))
    vec = pl.BlockSpec((1, _D), lambda i: (0, 0))
    return pl.pallas_call(
        body,
        grid=(_NB,),
        in_specs=[
            pl.BlockSpec((_R, _D), lambda i: (i, 0)),
            pl.BlockSpec((1, _R, _D), lambda i: (0, i, 0)),
            pl.BlockSpec((1, _R, _D), lambda i: (1, i, 0)),
            full, vec, full, vec,
            pl.BlockSpec((1, 1, _R), lambda i: (i, 0, 0)),
            full, vec, full, vec,
        ],
        out_specs=[
            pl.BlockSpec((_G, _D), lambda i: (0, 0)),
            pl.BlockSpec((_G, _D), lambda i: (0, 0)),
        ],
        out_shape=[
            jax.ShapeDtypeStruct((_G, _D), jnp.float32),
            jax.ShapeDtypeStruct((_G, _D), jnp.float32),
        ],
        scratch_shapes=[
            pltpu.VMEM((_G, _D), jnp.float32),
            pltpu.VMEM((_G, _D), jnp.float32),
        ],
    )(h, p, p, W1, b1, W2, b2, batch_r, Wp1, bp1, Wp2p, bp2p)


def kernel(x, edge_index, batch, W1_0, b1_0, W2_0, b2_0, W1_1, b1_1, W2_1,
           b2_1, W1_2, b1_2, W2_2, b2_2, gamma0, beta0, gamma1, beta1,
           Wp1, bp1, Wp2, bp2):
    src = edge_index[0]
    dst = edge_index[1]
    zeros = jnp.zeros((_NACC, _D), jnp.float32)
    batch_r = batch.reshape(_NB, 1, _R)

    r2 = lambda a: a.reshape(1, _D)
    Wp2p = jnp.zeros((_D, _D), jnp.float32).at[:, :2].set(Wp2)
    bp2p = jnp.zeros((1, _D), jnp.float32).at[0, :2].set(bp2)

    p = _sc_agg(x, src, dst, zeros)
    h = _tc_layer(x, p, W1_0, r2(b1_0), W2_0, r2(b2_0), r2(gamma0), r2(beta0))
    p = _sc_agg(h, src, dst, zeros)
    h = _tc_layer(h, p, W1_1, r2(b1_1), W2_1, r2(b2_1), r2(gamma1), r2(beta1))
    p = _sc_agg(h, src, dst, zeros)
    emb, outp = _tc_final(h, p, batch_r, W1_2, r2(b1_2), W2_2, r2(b2_2),
                          Wp1, r2(bp1), Wp2p, bp2p)
    return (emb, outp[:, :2])

# --- scband reference (transcript-rebuilt; emitter-appended) ---
"""Pipeline reference for scband-gnnstack-50775103373747 (READ-ONLY COPY).

The authoritative reference and input builder live on the scoring server;
editing this copy changes nothing except your own understanding.
"""

import jax, jax.numpy as jnp
import numpy as np

N = 10000
E = 320000
D = 128
H = 128
OUT = 2
G = 64


def _init_linear(key, fan_in, fan_out):
    k1, k2 = jax.random.split(key)
    lim = 1.0 / np.sqrt(fan_in)
    W = jax.random.uniform(k1, (fan_in, fan_out), minval=-lim, maxval=lim, dtype=jnp.float32)
    b = jax.random.uniform(k2, (fan_out,), minval=-lim, maxval=lim, dtype=jnp.float32)
    return W, b


def setup_inputs(seed: int = 0):
    key = jax.random.key(seed)
    ks = jax.random.split(key, 12)
    inp = {}
    inp['x'] = jax.random.normal(ks[0], (N, D), dtype=jnp.float32)
    inp['edge_index'] = jax.random.randint(ks[1], (2, E), 0, N, dtype=jnp.int32)
    inp['batch'] = jnp.sort(jax.random.randint(ks[2], (N,), 0, G, dtype=jnp.int32))
    dims = [(D, H), (H, H), (H, H)]
    for l, (fi, fo) in enumerate(dims):
        k1, k2 = jax.random.split(ks[3 + l])
        W1, b1 = _init_linear(k1, fi, fo)
        W2, b2 = _init_linear(k2, fo, fo)
        inp['W1_%d' % l] = W1
        inp['b1_%d' % l] = b1
        inp['W2_%d' % l] = W2
        inp['b2_%d' % l] = b2
    inp['gamma0'] = jnp.ones((H,), dtype=jnp.float32)
    inp['beta0'] = jnp.zeros((H,), dtype=jnp.float32)
    inp['gamma1'] = jnp.ones((H,), dtype=jnp.float32)
    inp['beta1'] = jnp.zeros((H,), dtype=jnp.float32)
    inp['Wp1'], inp['bp1'] = _init_linear(ks[6], H, H)
    inp['Wp2'], inp['bp2'] = _init_linear(ks[7], H, OUT)
    return inp


def _gin(x, src, dst, W1, b1, W2, b2):
    # GINConv with train_eps=False (eps=0): h_i = MLP(x_i + sum_{j->i} x_j)
    agg = jax.ops.segment_sum(x[src], dst, num_segments=N)
    h = x + agg
    h = jnp.maximum(h @ W1 + b1, 0.0) @ W2 + b2
    return h


def _layernorm(x, gamma, beta):
    mu = jnp.mean(x, axis=-1, keepdims=True)
    var = jnp.var(x, axis=-1, keepdims=True)
    return (x - mu) / jnp.sqrt(var + 1e-5) * gamma + beta


def reference(x, edge_index, batch, W1_0, b1_0, W2_0, b2_0, W1_1, b1_1, W2_1, b2_1, W1_2, b1_2, W2_2, b2_2, gamma0, beta0, gamma1, beta1, Wp1, bp1, Wp2, bp2):
    src = edge_index[0]
    dst = edge_index[1]
    h = _gin(x, src, dst, W1_0, b1_0, W2_0, b2_0)
    h = jnp.maximum(h, 0.0)  # dropout is identity in eval mode
    h = _layernorm(h, gamma0, beta0)
    h = _gin(h, src, dst, W1_1, b1_1, W2_1, b2_1)
    h = jnp.maximum(h, 0.0)
    h = _layernorm(h, gamma1, beta1)
    h = _gin(h, src, dst, W1_2, b1_2, W2_2, b2_2)
    h = jnp.maximum(h, 0.0)
    # global_mean_pool over graph ids
    sums = jax.ops.segment_sum(h, batch, num_segments=G)
    counts = jax.ops.segment_sum(jnp.ones((N, 1), dtype=jnp.float32), batch, num_segments=G)
    pooled = sums / jnp.maximum(counts, 1.0)
    emb = pooled
    z = pooled @ Wp1 + bp1  # post_mp: Linear -> Dropout(identity) -> Linear
    z = z @ Wp2 + bp2
    out = jax.nn.log_softmax(z, axis=1)
    return (emb, out)

if __name__ == "__main__":
    import jax
    _d = setup_inputs()
    print(jax.jit(kernel)(*tuple(_d.values())))

</pallas_src>

<mosaic_0001>
#map = affine_map<(d0, d1) -> (0, 0)>
#map1 = affine_map<(d0, d1) -> (0)>
#map2 = affine_map<(d0, d1) -> (0, 0, 0)>
module attributes {stable_mosaic.version = 14 : i64} {
  func.func @k(%arg0: i32, %arg1: i32, %arg2: memref<10000x128xf32, #tpu.memory_space<hbm>>, %arg3: memref<320000xi32, #tpu.memory_space<hbm>>, %arg4: memref<320000xi32, #tpu.memory_space<hbm>>, %arg5: memref<10240x128xf32, #tpu.memory_space<hbm>>, %arg6: memref<2x10240x128xf32, #tpu.memory_space<hbm>>, %arg7: memref<80xi32, #tpu.memory_space<vmem>>, %arg8: memref<80xi32, #tpu.memory_space<vmem>>, %arg9: memref<80x128xf32, #tpu.memory_space<vmem>>, %arg10: memref<10240x128xf32, #tpu.memory_space<vmem_shared>>, %arg11: memref<!tpu.dma_semaphore, #tpu.memory_space<semaphore_mem>>) attributes {dimension_semantics = [#tpu.dimension_semantics<core_parallel>, #tpu.dimension_semantics<subcore_parallel>], iteration_bounds = array<i64: 2, 16>, scalar_prefetch = 0 : i64, scratch_operands = 5 : i64, tpu.core_type = #tpu.core_type<sc_vector_subcore>, window_params = [{transform_indices = #map}, {transform_indices = #map1}, {transform_indices = #map1}, {transform_indices = #map}, {transform_indices = #map2}]} {
    %mul3A = arith.constant 2 : i32
    %mul3A_0 = arith.muli %arg1, %mul3A : i32
    %add3A = arith.addi %mul3A_0, %arg0 : i32
    %mul3A_1 = arith.constant 640 : i32
    %mul3A_2 = arith.muli %arg1, %mul3A_1 : i32
    "tpu.region"() ({
      %run_scoped3A = tpu.sem_alloc : memref<!tpu.dma_semaphore, #tpu.memory_space<semaphore_mem>>
      %dma_start3A = arith.constant 0 : i32
      %dma_start3A_11 = tpu.memref_slice %arg10[%mul3A_2, %dma_start3A] : memref<10240x128xf32, #tpu.memory_space<vmem_shared>> -> memref<640x128xf32, #tpu.memory_space<vmem_shared>>
      %dma_start3A_12 = arith.constant 0 : i32
      %dma_start3A_13 = tpu.memref_slice %arg5[%mul3A_2, %dma_start3A_12] : memref<10240x128xf32, #tpu.memory_space<hbm>> -> memref<640x128xf32, #tpu.memory_space<hbm>>
      tpu.enqueue_dma source(%dma_start3A_13 : memref<640x128xf32, #tpu.memory_space<hbm>>) target(%dma_start3A_11 : memref<640x128xf32, #tpu.memory_space<vmem_shared>>) target_semaphore(%run_scoped3A : memref<!tpu.dma_semaphore, #tpu.memory_space<semaphore_mem>>)
      %dma_wait3A = arith.constant 0 : i32
      %dma_wait3A_14 = tpu.memref_slice %arg10[%mul3A_2, %dma_wait3A] : memref<10240x128xf32, #tpu.memory_space<vmem_shared>> -> memref<640x128xf32, #tpu.memory_space<vmem_shared>>
      %dma_wait3A_15 = arith.constant 0 : i32
      %dma_wait3A_16 = tpu.memref_slice %arg5[%mul3A_2, %dma_wait3A_15] : memref<10240x128xf32, #tpu.memory_space<hbm>> -> memref<640x128xf32, #tpu.memory_space<hbm>>
      tpu.wait_dma2 semaphore(%run_scoped3A : memref<!tpu.dma_semaphore, #tpu.memory_space<semaphore_mem>>) src(%dma_wait3A_16 : memref<640x128xf32, #tpu.memory_space<hbm>>) dst(%dma_wait3A_14 : memref<640x128xf32, #tpu.memory_space<vmem_shared>>)
      tpu.yield
    }) : () -> ()
    %barrier3A = arith.constant 0 : index
    tpu.barrier barrier_id(%barrier3A)
    %mul3A_3 = arith.constant 10000 : i32
    %mul3A_4 = arith.muli %add3A, %mul3A_3 : i32
    %scan3A = arith.constant 0 : i32
    %scan3A_5 = arith.constant 0 : i32
    %scan3A_6 = arith.constant 125 : i32
    %scan3A_7 = arith.addi %scan3A_5, %scan3A_6 : i32
    %scan3A_8 = arith.constant 1 : i32
    scf.for %scan3A_11 = %scan3A_5 to %scan3A_7 step %scan3A_8  : i32 {
      %mul3A_12 = arith.constant 80 : i32
      %mul3A_13 = arith.muli %scan3A_11, %mul3A_12 : i32
      %add3A_14 = arith.addi %mul3A_4, %mul3A_13 : i32
      "tpu.region"() ({
        %run_scoped3A = tpu.sem_alloc : memref<!tpu.dma_semaphore, #tpu.memory_space<semaphore_mem>>
        %dma_start3A_19 = tpu.memref_slice %arg3[%add3A_14] : memref<320000xi32, #tpu.memory_space<hbm>> -> memref<80xi32, #tpu.memory_space<hbm>>
        %dma_start3A_20 = tpu.memref_slice %arg3[%add3A_14] : memref<320000xi32, #tpu.memory_space<hbm>> -> memref<80xi32, #tpu.memory_space<hbm>>
        tpu.enqueue_dma source(%dma_start3A_20 : memref<80xi32, #tpu.memory_space<hbm>>) target(%arg7 : memref<80xi32, #tpu.memory_space<vmem>>) target_semaphore(%run_scoped3A : memref<!tpu.dma_semaphore, #tpu.memory_space<semaphore_mem>>)
        %dma_wait3A_21 = tpu.memref_slice %arg3[%add3A_14] : memref<320000xi32, #tpu.memory_space<hbm>> -> memref<80xi32, #tpu.memory_space<hbm>>
        %dma_wait3A_22 = tpu.memref_slice %arg3[%add3A_14] : memref<320000xi32, #tpu.memory_space<hbm>> -> memref<80xi32, #tpu.memory_space<hbm>>
        tpu.wait_dma2 semaphore(%run_scoped3A : memref<!tpu.dma_semaphore, #tpu.memory_space<semaphore_mem>>) src(%dma_wait3A_22 : memref<80xi32, #tpu.memory_space<hbm>>) dst(%arg7 : memref<80xi32, #tpu.memory_space<vmem>>)
        tpu.yield
      }) : () -> ()
      "tpu.region"() ({
        %run_scoped3A = tpu.sem_alloc : memref<!tpu.dma_semaphore, #tpu.memory_space<semaphore_mem>>
        %dma_start3A_19 = tpu.memref_slice %arg4[%add3A_14] : memref<320000xi32, #tpu.memory_space<hbm>> -> memref<80xi32, #tpu.memory_space<hbm>>
        %dma_start3A_20 = tpu.memref_slice %arg4[%add3A_14] : memref<320000xi32, #tpu.memory_space<hbm>> -> memref<80xi32, #tpu.memory_space<hbm>>
        tpu.enqueue_dma source(%dma_start3A_20 : memref<80xi32, #tpu.memory_space<hbm>>) target(%arg8 : memref<80xi32, #tpu.memory_space<vmem>>) target_semaphore(%run_scoped3A : memref<!tpu.dma_semaphore, #tpu.memory_space<semaphore_mem>>)
        %dma_wait3A_21 = tpu.memref_slice %arg4[%add3A_14] : memref<320000xi32, #tpu.memory_space<hbm>> -> memref<80xi32, #tpu.memory_space<hbm>>
        %dma_wait3A_22 = tpu.memref_slice %arg4[%add3A_14] : memref<320000xi32, #tpu.memory_space<hbm>> -> memref<80xi32, #tpu.memory_space<hbm>>
        tpu.wait_dma2 semaphore(%run_scoped3A : memref<!tpu.dma_semaphore, #tpu.memory_space<semaphore_mem>>) src(%dma_wait3A_22 : memref<80xi32, #tpu.memory_space<hbm>>) dst(%arg8 : memref<80xi32, #tpu.memory_space<vmem>>)
        tpu.yield
      }) : () -> ()
      %dma_start3A = arith.constant 0 : i32
      %dma_start3A_15 = arith.constant 0 : i32
      %dma_start3A_16 = tpu.memref_slice %arg2[%dma_start3A, %dma_start3A_15] : memref<10000x128xf32, #tpu.memory_space<hbm>> -> memref<10000x128xf32, #tpu.memory_space<hbm>>
      tpu.enqueue_indirect_dma source(%dma_start3A_16 : memref<10000x128xf32, #tpu.memory_space<hbm>>) target(%arg9 : memref<80x128xf32, #tpu.memory_space<vmem>>) offsets(%arg7 : memref<80xi32, #tpu.memory_space<vmem>>) semaphore(%arg11 : memref<!tpu.dma_semaphore, #tpu.memory_space<semaphore_mem>>)
      %dma_wait3A = arith.constant 0 : i32
      %dma_wait3A_17 = arith.constant 0 : i32
      %dma_wait3A_18 = tpu.memref_slice %arg2[%dma_wait3A, %dma_wait3A_17] : memref<10000x128xf32, #tpu.memory_space<hbm>> -> memref<10000x128xf32, #tpu.memory_space<hbm>>
      tpu.wait_indirect_dma semaphore(%arg11 : memref<!tpu.dma_semaphore, #tpu.memory_space<semaphore_mem>>) src(%dma_wait3A_18 : memref<10000x128xf32, #tpu.memory_space<hbm>>) dst(%arg9 : memref<80x128xf32, #tpu.memory_space<vmem>>)
      "tpu.region"() ({
        %run_scoped3A = tpu.sem_alloc : memref<!tpu.dma_semaphore, #tpu.memory_space<semaphore_mem>>
        %dma_start3A_19 = arith.constant 0 : i32
        %dma_start3A_20 = arith.constant 0 : i32
        %dma_start3A_21 = tpu.memref_slice %arg10[%dma_start3A_19, %dma_start3A_20] : memref<10240x128xf32, #tpu.memory_space<vmem_shared>> -> memref<10240x128xf32, #tpu.memory_space<vmem_shared>>
        tpu.enqueue_indirect_dma source(%arg9 : memref<80x128xf32, #tpu.memory_space<vmem>>) target(%dma_start3A_21 : memref<10240x128xf32, #tpu.memory_space<vmem_shared>>) offsets(%arg8 : memref<80xi32, #tpu.memory_space<vmem>>) semaphore(%run_scoped3A : memref<!tpu.dma_semaphore, #tpu.memory_space<semaphore_mem>>) {add = true}
        %dma_wait3A_22 = arith.constant 0 : i32
        %dma_wait3A_23 = arith.constant 0 : i32
        %dma_wait3A_24 = tpu.memref_slice %arg10[%dma_wait3A_22, %dma_wait3A_23] : memref<10240x128xf32, #tpu.memory_space<vmem_shared>> -> memref<10240x128xf32, #tpu.memory_space<vmem_shared>>
        tpu.wait_indirect_dma semaphore(%run_scoped3A : memref<!tpu.dma_semaphore, #tpu.memory_space<semaphore_mem>>) src(%arg9 : memref<80x128xf32, #tpu.memory_space<vmem>>) dst(%dma_wait3A_24 : memref<10240x128xf32, #tpu.memory_space<vmem_shared>>)
        tpu.yield
      }) : () -> ()
    }
    %scan3A_9 = arith.constant 125 : i32
    %barrier3A_10 = arith.constant 0 : index
    tpu.barrier barrier_id(%barrier3A_10)
    "tpu.region"() ({
      %run_scoped3A = tpu.sem_alloc : memref<!tpu.dma_semaphore, #tpu.memory_space<semaphore_mem>>
      %dma_start3A = arith.constant 0 : i32
      %dma_start3A_11 = tpu.memref_slice %arg6[%arg0, %mul3A_2, %dma_start3A] : memref<2x10240x128xf32, #tpu.memory_space<hbm>> -> memref<1x640x128xf32, #tpu.memory_space<hbm>>
      %dma_start3A_12 = tpu.memref_squeeze %dma_start3A_11 : memref<1x640x128xf32, #tpu.memory_space<hbm>> -> memref<640x128xf32, #tpu.memory_space<hbm>>
      %dma_start3A_13 = arith.constant 0 : i32
      %dma_start3A_14 = tpu.memref_slice %arg10[%mul3A_2, %dma_start3A_13] : memref<10240x128xf32, #tpu.memory_space<vmem_shared>> -> memref<640x128xf32, #tpu.memory_space<vmem_shared>>
      tpu.enqueue_dma source(%dma_start3A_14 : memref<640x128xf32, #tpu.memory_space<vmem_shared>>) target(%dma_start3A_12 : memref<640x128xf32, #tpu.memory_space<hbm>>) target_semaphore(%run_scoped3A : memref<!tpu.dma_semaphore, #tpu.memory_space<semaphore_mem>>)
      %dma_wait3A = arith.constant 0 : i32
      %dma_wait3A_15 = tpu.memref_slice %arg6[%arg0, %mul3A_2, %dma_wait3A] : memref<2x10240x128xf32, #tpu.memory_space<hbm>> -> memref<1x640x128xf32, #tpu.memory_space<hbm>>
      %dma_wait3A_16 = tpu.memref_squeeze %dma_wait3A_15 : memref<1x640x128xf32, #tpu.memory_space<hbm>> -> memref<640x128xf32, #tpu.memory_space<hbm>>
      %dma_wait3A_17 = arith.constant 0 : i32
      %dma_wait3A_18 = tpu.memref_slice %arg10[%mul3A_2, %dma_wait3A_17] : memref<10240x128xf32, #tpu.memory_space<vmem_shared>> -> memref<640x128xf32, #tpu.memory_space<vmem_shared>>
      tpu.wait_dma2 semaphore(%run_scoped3A : memref<!tpu.dma_semaphore, #tpu.memory_space<semaphore_mem>>) src(%dma_wait3A_18 : memref<640x128xf32, #tpu.memory_space<vmem_shared>>) dst(%dma_wait3A_16 : memref<640x128xf32, #tpu.memory_space<hbm>>)
      tpu.yield
    }) : () -> ()
    return
  }
}

#map = affine_map<(d0, d1) -> (0, 0)>
#map1 = affine_map<(d0, d1) -> (0)>
#map2 = affine_map<(d0, d1) -> (0, 0, 0)>
module attributes {stable_mosaic.version = 14 : i64} {
  func.func @k(%arg0: i32, %arg1: i32, %arg2: memref<10000x128xf32, #tpu.memory_space<hbm>>, %arg3: memref<320000xi32, #tpu.memory_space<hbm>>, %arg4: memref<320000xi32, #tpu.memory_space<hbm>>, %arg5: memref<10240x128xf32, #tpu.memory_space<hbm>>, %arg6: memref<2x10240x128xf32, #tpu.memory_space<hbm>>, %arg7: memref<80xi32, #tpu.memory_space<vmem>>, %arg8: memref<80xi32, #tpu.memory_space<vmem>>, %arg9: memref<80x128xf32, #tpu.memory_space<vmem>>, %arg10: memref<10240x128xf32, #tpu.memory_space<vmem_shared>>, %arg11: memref<!tpu.dma_semaphore, #tpu.memory_space<semaphore_mem>>) attributes {dimension_semantics = [#tpu.dimension_semantics<core_parallel>, #tpu.dimension_semantics<subcore_parallel>], iteration_bounds = array<i64: 2, 16>, scalar_prefetch = 0 : i64, scratch_operands = 5 : i64, tpu.core_type = #tpu.core_type<sc_vector_subcore>, window_params = [{transform_indices = #map}, {transform_indices = #map1}, {transform_indices = #map1}, {transform_indices = #map}, {transform_indices = #map2}]} {
    %mul3A = arith.constant 2 : i32
    %mul3A_0 = arith.muli %arg1, %mul3A : i32
    %add3A = arith.addi %mul3A_0, %arg0 : i32
    %mul3A_1 = arith.constant 640 : i32
    %mul3A_2 = arith.muli %arg1, %mul3A_1 : i32
    "tpu.region"() ({
      %run_scoped3A = tpu.sem_alloc : memref<!tpu.dma_semaphore, #tpu.memory_space<semaphore_mem>>
      %dma_start3A = arith.constant 0 : i32
      %dma_start3A_11 = tpu.memref_slice %arg10[%mul3A_2, %dma_start3A] : memref<10240x128xf32, #tpu.memory_space<vmem_shared>> -> memref<640x128xf32, #tpu.memory_space<vmem_shared>>
      %dma_start3A_12 = arith.constant 0 : i32
      %dma_start3A_13 = tpu.memref_slice %arg5[%mul3A_2, %dma_start3A_12] : memref<10240x128xf32, #tpu.memory_space<hbm>> -> memref<640x128xf32, #tpu.memory_space<hbm>>
      tpu.enqueue_dma source(%dma_start3A_13 : memref<640x128xf32, #tpu.memory_space<hbm>>) target(%dma_start3A_11 : memref<640x128xf32, #tpu.memory_space<vmem_shared>>) target_semaphore(%run_scoped3A : memref<!tpu.dma_semaphore, #tpu.memory_space<semaphore_mem>>)
      %dma_wait3A = arith.constant 0 : i32
      %dma_wait3A_14 = tpu.memref_slice %arg10[%mul3A_2, %dma_wait3A] : memref<10240x128xf32, #tpu.memory_space<vmem_shared>> -> memref<640x128xf32, #tpu.memory_space<vmem_shared>>
      %dma_wait3A_15 = arith.constant 0 : i32
      %dma_wait3A_16 = tpu.memref_slice %arg5[%mul3A_2, %dma_wait3A_15] : memref<10240x128xf32, #tpu.memory_space<hbm>> -> memref<640x128xf32, #tpu.memory_space<hbm>>
      tpu.wait_dma2 semaphore(%run_scoped3A : memref<!tpu.dma_semaphore, #tpu.memory_space<semaphore_mem>>) src(%dma_wait3A_16 : memref<640x128xf32, #tpu.memory_space<hbm>>) dst(%dma_wait3A_14 : memref<640x128xf32, #tpu.memory_space<vmem_shared>>)
      tpu.yield
    }) : () -> ()
    %barrier3A = arith.constant 0 : index
    tpu.barrier barrier_id(%barrier3A)
    %mul3A_3 = arith.constant 10000 : i32
    %mul3A_4 = arith.muli %add3A, %mul3A_3 : i32
    %scan3A = arith.constant 0 : i32
    %scan3A_5 = arith.constant 0 : i32
    %scan3A_6 = arith.constant 125 : i32
    %scan3A_7 = arith.addi %scan3A_5, %scan3A_6 : i32
    %scan3A_8 = arith.constant 1 : i32
    scf.for %scan3A_11 = %scan3A_5 to %scan3A_7 step %scan3A_8  : i32 {
      %mul3A_12 = arith.constant 80 : i32
      %mul3A_13 = arith.muli %scan3A_11, %mul3A_12 : i32
      %add3A_14 = arith.addi %mul3A_4, %mul3A_13 : i32
      "tpu.region"() ({
        %run_scoped3A = tpu.sem_alloc : memref<!tpu.dma_semaphore, #tpu.memory_space<semaphore_mem>>
        %dma_start3A_19 = tpu.memref_slice %arg3[%add3A_14] : memref<320000xi32, #tpu.memory_space<hbm>> -> memref<80xi32, #tpu.memory_space<hbm>>
        %dma_start3A_20 = tpu.memref_slice %arg3[%add3A_14] : memref<320000xi32, #tpu.memory_space<hbm>> -> memref<80xi32, #tpu.memory_space<hbm>>
        tpu.enqueue_dma source(%dma_start3A_20 : memref<80xi32, #tpu.memory_space<hbm>>) target(%arg7 : memref<80xi32, #tpu.memory_space<vmem>>) target_semaphore(%run_scoped3A : memref<!tpu.dma_semaphore, #tpu.memory_space<semaphore_mem>>)
        %dma_wait3A_21 = tpu.memref_slice %arg3[%add3A_14] : memref<320000xi32, #tpu.memory_space<hbm>> -> memref<80xi32, #tpu.memory_space<hbm>>
        %dma_wait3A_22 = tpu.memref_slice %arg3[%add3A_14] : memref<320000xi32, #tpu.memory_space<hbm>> -> memref<80xi32, #tpu.memory_space<hbm>>
        tpu.wait_dma2 semaphore(%run_scoped3A : memref<!tpu.dma_semaphore, #tpu.memory_space<semaphore_mem>>) src(%dma_wait3A_22 : memref<80xi32, #tpu.memory_space<hbm>>) dst(%arg7 : memref<80xi32, #tpu.memory_space<vmem>>)
        tpu.yield
      }) : () -> ()
      "tpu.region"() ({
        %run_scoped3A = tpu.sem_alloc : memref<!tpu.dma_semaphore, #tpu.memory_space<semaphore_mem>>
        %dma_start3A_19 = tpu.memref_slice %arg4[%add3A_14] : memref<320000xi32, #tpu.memory_space<hbm>> -> memref<80xi32, #tpu.memory_space<hbm>>
        %dma_start3A_20 = tpu.memref_slice %arg4[%add3A_14] : memref<320000xi32, #tpu.memory_space<hbm>> -> memref<80xi32, #tpu.memory_space<hbm>>
        tpu.enqueue_dma source(%dma_start3A_20 : memref<80xi32, #tpu.memory_space<hbm>>) target(%arg8 : memref<80xi32, #tpu.memory_space<vmem>>) target_semaphore(%run_scoped3A : memref<!tpu.dma_semaphore, #tpu.memory_space<semaphore_mem>>)
        %dma_wait3A_21 = tpu.memref_slice %arg4[%add3A_14] : memref<320000xi32, #tpu.memory_space<hbm>> -> memref<80xi32, #tpu.memory_space<hbm>>
        %dma_wait3A_22 = tpu.memref_slice %arg4[%add3A_14] : memref<320000xi32, #tpu.memory_space<hbm>> -> memref<80xi32, #tpu.memory_space<hbm>>
        tpu.wait_dma2 semaphore(%run_scoped3A : memref<!tpu.dma_semaphore, #tpu.memory_space<semaphore_mem>>) src(%dma_wait3A_22 : memref<80xi32, #tpu.memory_space<hbm>>) dst(%arg8 : memref<80xi32, #tpu.memory_space<vmem>>)
        tpu.yield
      }) : () -> ()
      %dma_start3A = arith.constant 0 : i32
      %dma_start3A_15 = arith.constant 0 : i32
      %dma_start3A_16 = tpu.memref_slice %arg2[%dma_start3A, %dma_start3A_15] : memref<10000x128xf32, #tpu.memory_space<hbm>> -> memref<10000x128xf32, #tpu.memory_space<hbm>>
      tpu.enqueue_indirect_dma source(%dma_start3A_16 : memref<10000x128xf32, #tpu.memory_space<hbm>>) target(%arg9 : memref<80x128xf32, #tpu.memory_space<vmem>>) offsets(%arg7 : memref<80xi32, #tpu.memory_space<vmem>>) semaphore(%arg11 : memref<!tpu.dma_semaphore, #tpu.memory_space<semaphore_mem>>)
      %dma_wait3A = arith.constant 0 : i32
      %dma_wait3A_17 = arith.constant 0 : i32
      %dma_wait3A_18 = tpu.memref_slice %arg2[%dma_wait3A, %dma_wait3A_17] : memref<10000x128xf32, #tpu.memory_space<hbm>> -> memref<10000x128xf32, #tpu.memory_space<hbm>>
      tpu.wait_indirect_dma semaphore(%arg11 : memref<!tpu.dma_semaphore, #tpu.memory_space<semaphore_mem>>) src(%dma_wait3A_18 : memref<10000x128xf32, #tpu.memory_space<hbm>>) dst(%arg9 : memref<80x128xf32, #tpu.memory_space<vmem>>)
      "tpu.region"() ({
        %run_scoped3A = tpu.sem_alloc : memref<!tpu.dma_semaphore, #tpu.memory_space<semaphore_mem>>
        %dma_start3A_19 = arith.constant 0 : i32
        %dma_start3A_20 = arith.constant 0 : i32
        %dma_start3A_21 = tpu.memref_slice %arg10[%dma_start3A_19, %dma_start3A_20] : memref<10240x128xf32, #tpu.memory_space<vmem_shared>> -> memref<10240x128xf32, #tpu.memory_space<vmem_shared>>
        tpu.enqueue_indirect_dma source(%arg9 : memref<80x128xf32, #tpu.memory_space<vmem>>) target(%dma_start3A_21 : memref<10240x128xf32, #tpu.memory_space<vmem_shared>>) offsets(%arg8 : memref<80xi32, #tpu.memory_space<vmem>>) semaphore(%run_scoped3A : memref<!tpu.dma_semaphore, #tpu.memory_space<semaphore_mem>>) {add = true}
        %dma_wait3A_22 = arith.constant 0 : i32
        %dma_wait3A_23 = arith.constant 0 : i32
        %dma_wait3A_24 = tpu.memref_slice %arg10[%dma_wait3A_22, %dma_wait3A_23] : memref<10240x128xf32, #tpu.memory_space<vmem_shared>> -> memref<10240x128xf32, #tpu.memory_space<vmem_shared>>
        tpu.wait_indirect_dma semaphore(%run_scoped3A : memref<!tpu.dma_semaphore, #tpu.memory_space<semaphore_mem>>) src(%arg9 : memref<80x128xf32, #tpu.memory_space<vmem>>) dst(%dma_wait3A_24 : memref<10240x128xf32, #tpu.memory_space<vmem_shared>>)
        tpu.yield
      }) : () -> ()
    }
    %scan3A_9 = arith.constant 125 : i32
    %barrier3A_10 = arith.constant 0 : index
    tpu.barrier barrier_id(%barrier3A_10)
    "tpu.region"() ({
      %run_scoped3A = tpu.sem_alloc : memref<!tpu.dma_semaphore, #tpu.memory_space<semaphore_mem>>
      %dma_start3A = arith.constant 0 : i32
      %dma_start3A_11 = tpu.memref_slice %arg6[%arg0, %mul3A_2, %dma_start3A] : memref<2x10240x128xf32, #tpu.memory_space<hbm>> -> memref<1x640x128xf32, #tpu.memory_space<hbm>>
      %dma_start3A_12 = tpu.memref_squeeze %dma_start3A_11 : memref<1x640x128xf32, #tpu.memory_space<hbm>> -> memref<640x128xf32, #tpu.memory_space<hbm>>
      %dma_start3A_13 = arith.constant 0 : i32
      %dma_start3A_14 = tpu.memref_slice %arg10[%mul3A_2, %dma_start3A_13] : memref<10240x128xf32, #tpu.memory_space<vmem_shared>> -> memref<640x128xf32, #tpu.memory_space<vmem_shared>>
      tpu.enqueue_dma source(%dma_start3A_14 : memref<640x128xf32, #tpu.memory_space<vmem_shared>>) target(%dma_start3A_12 : memref<640x128xf32, #tpu.memory_space<hbm>>) target_semaphore(%run_scoped3A : memref<!tpu.dma_semaphore, #tpu.memory_space<semaphore_mem>>)
      %dma_wait3A = arith.constant 0 : i32
      %dma_wait3A_15 = tpu.memref_slice %arg6[%arg0, %mul3A_2, %dma_wait3A] : memref<2x10240x128xf32, #tpu.memory_space<hbm>> -> memref<1x640x128xf32, #tpu.memory_space<hbm>>
      %dma_wait3A_16 = tpu.memref_squeeze %dma_wait3A_15 : memref<1x640x128xf32, #tpu.memory_space<hbm>> -> memref<640x128xf32, #tpu.memory_space<hbm>>
      %dma_wait3A_17 = arith.constant 0 : i32
      %dma_wait3A_18 = tpu.memref_slice %arg10[%mul3A_2, %dma_wait3A_17] : memref<10240x128xf32, #tpu.memory_space<vmem_shared>> -> memref<640x128xf32, #tpu.memory_space<vmem_shared>>
      tpu.wait_dma2 semaphore(%run_scoped3A : memref<!tpu.dma_semaphore, #tpu.memory_space<semaphore_mem>>) src(%dma_wait3A_18 : memref<640x128xf32, #tpu.memory_space<vmem_shared>>) dst(%dma_wait3A_16 : memref<640x128xf32, #tpu.memory_space<hbm>>)
      tpu.yield
    }) : () -> ()
    return
  }
}

#map = affine_map<(d0, d1) -> (0, 0)>
#map1 = affine_map<(d0, d1) -> (0)>
#map2 = affine_map<(d0, d1) -> (0, 0, 0)>
module attributes {stable_mosaic.version = 14 : i64} {
  func.func @k(%arg0: i32, %arg1: i32, %arg2: memref<10000x128xf32, #tpu.memory_space<hbm>>, %arg3: memref<320000xi32, #tpu.memory_space<hbm>>, %arg4: memref<320000xi32, #tpu.memory_space<hbm>>, %arg5: memref<10240x128xf32, #tpu.memory_space<hbm>>, %arg6: memref<2x10240x128xf32, #tpu.memory_space<hbm>>, %arg7: memref<80xi32, #tpu.memory_space<vmem>>, %arg8: memref<80xi32, #tpu.memory_space<vmem>>, %arg9: memref<80x128xf32, #tpu.memory_space<vmem>>, %arg10: memref<10240x128xf32, #tpu.memory_space<vmem_shared>>, %arg11: memref<!tpu.dma_semaphore, #tpu.memory_space<semaphore_mem>>) attributes {dimension_semantics = [#tpu.dimension_semantics<core_parallel>, #tpu.dimension_semantics<subcore_parallel>], iteration_bounds = array<i64: 2, 16>, scalar_prefetch = 0 : i64, scratch_operands = 5 : i64, tpu.core_type = #tpu.core_type<sc_vector_subcore>, window_params = [{transform_indices = #map}, {transform_indices = #map1}, {transform_indices = #map1}, {transform_indices = #map}, {transform_indices = #map2}]} {
    %mul3A = arith.constant 2 : i32
    %mul3A_0 = arith.muli %arg1, %mul3A : i32
    %add3A = arith.addi %mul3A_0, %arg0 : i32
    %mul3A_1 = arith.constant 640 : i32
    %mul3A_2 = arith.muli %arg1, %mul3A_1 : i32
    "tpu.region"() ({
      %run_scoped3A = tpu.sem_alloc : memref<!tpu.dma_semaphore, #tpu.memory_space<semaphore_mem>>
      %dma_start3A = arith.constant 0 : i32
      %dma_start3A_11 = tpu.memref_slice %arg10[%mul3A_2, %dma_start3A] : memref<10240x128xf32, #tpu.memory_space<vmem_shared>> -> memref<640x128xf32, #tpu.memory_space<vmem_shared>>
      %dma_start3A_12 = arith.constant 0 : i32
      %dma_start3A_13 = tpu.memref_slice %arg5[%mul3A_2, %dma_start3A_12] : memref<10240x128xf32, #tpu.memory_space<hbm>> -> memref<640x128xf32, #tpu.memory_space<hbm>>
      tpu.enqueue_dma source(%dma_start3A_13 : memref<640x128xf32, #tpu.memory_space<hbm>>) target(%dma_start3A_11 : memref<640x128xf32, #tpu.memory_space<vmem_shared>>) target_semaphore(%run_scoped3A : memref<!tpu.dma_semaphore, #tpu.memory_space<semaphore_mem>>)
      %dma_wait3A = arith.constant 0 : i32
      %dma_wait3A_14 = tpu.memref_slice %arg10[%mul3A_2, %dma_wait3A] : memref<10240x128xf32, #tpu.memory_space<vmem_shared>> -> memref<640x128xf32, #tpu.memory_space<vmem_shared>>
      %dma_wait3A_15 = arith.constant 0 : i32
      %dma_wait3A_16 = tpu.memref_slice %arg5[%mul3A_2, %dma_wait3A_15] : memref<10240x128xf32, #tpu.memory_space<hbm>> -> memref<640x128xf32, #tpu.memory_space<hbm>>
      tpu.wait_dma2 semaphore(%run_scoped3A : memref<!tpu.dma_semaphore, #tpu.memory_space<semaphore_mem>>) src(%dma_wait3A_16 : memref<640x128xf32, #tpu.memory_space<hbm>>) dst(%dma_wait3A_14 : memref<640x128xf32, #tpu.memory_space<vmem_shared>>)
      tpu.yield
    }) : () -> ()
    %barrier3A = arith.constant 0 : index
    tpu.barrier barrier_id(%barrier3A)
    %mul3A_3 = arith.constant 10000 : i32
    %mul3A_4 = arith.muli %add3A, %mul3A_3 : i32
    %scan3A = arith.constant 0 : i32
    %scan3A_5 = arith.constant 0 : i32
    %scan3A_6 = arith.constant 125 : i32
    %scan3A_7 = arith.addi %scan3A_5, %scan3A_6 : i32
    %scan3A_8 = arith.constant 1 : i32
    scf.for %scan3A_11 = %scan3A_5 to %scan3A_7 step %scan3A_8  : i32 {
      %mul3A_12 = arith.constant 80 : i32
      %mul3A_13 = arith.muli %scan3A_11, %mul3A_12 : i32
      %add3A_14 = arith.addi %mul3A_4, %mul3A_13 : i32
      "tpu.region"() ({
        %run_scoped3A = tpu.sem_alloc : memref<!tpu.dma_semaphore, #tpu.memory_space<semaphore_mem>>
        %dma_start3A_19 = tpu.memref_slice %arg3[%add3A_14] : memref<320000xi32, #tpu.memory_space<hbm>> -> memref<80xi32, #tpu.memory_space<hbm>>
        %dma_start3A_20 = tpu.memref_slice %arg3[%add3A_14] : memref<320000xi32, #tpu.memory_space<hbm>> -> memref<80xi32, #tpu.memory_space<hbm>>
        tpu.enqueue_dma source(%dma_start3A_20 : memref<80xi32, #tpu.memory_space<hbm>>) target(%arg7 : memref<80xi32, #tpu.memory_space<vmem>>) target_semaphore(%run_scoped3A : memref<!tpu.dma_semaphore, #tpu.memory_space<semaphore_mem>>)
        %dma_wait3A_21 = tpu.memref_slice %arg3[%add3A_14] : memref<320000xi32, #tpu.memory_space<hbm>> -> memref<80xi32, #tpu.memory_space<hbm>>
        %dma_wait3A_22 = tpu.memref_slice %arg3[%add3A_14] : memref<320000xi32, #tpu.memory_space<hbm>> -> memref<80xi32, #tpu.memory_space<hbm>>
        tpu.wait_dma2 semaphore(%run_scoped3A : memref<!tpu.dma_semaphore, #tpu.memory_space<semaphore_mem>>) src(%dma_wait3A_22 : memref<80xi32, #tpu.memory_space<hbm>>) dst(%arg7 : memref<80xi32, #tpu.memory_space<vmem>>)
        tpu.yield
      }) : () -> ()
      "tpu.region"() ({
        %run_scoped3A = tpu.sem_alloc : memref<!tpu.dma_semaphore, #tpu.memory_space<semaphore_mem>>
        %dma_start3A_19 = tpu.memref_slice %arg4[%add3A_14] : memref<320000xi32, #tpu.memory_space<hbm>> -> memref<80xi32, #tpu.memory_space<hbm>>
        %dma_start3A_20 = tpu.memref_slice %arg4[%add3A_14] : memref<320000xi32, #tpu.memory_space<hbm>> -> memref<80xi32, #tpu.memory_space<hbm>>
        tpu.enqueue_dma source(%dma_start3A_20 : memref<80xi32, #tpu.memory_space<hbm>>) target(%arg8 : memref<80xi32, #tpu.memory_space<vmem>>) target_semaphore(%run_scoped3A : memref<!tpu.dma_semaphore, #tpu.memory_space<semaphore_mem>>)
        %dma_wait3A_21 = tpu.memref_slice %arg4[%add3A_14] : memref<320000xi32, #tpu.memory_space<hbm>> -> memref<80xi32, #tpu.memory_space<hbm>>
        %dma_wait3A_22 = tpu.memref_slice %arg4[%add3A_14] : memref<320000xi32, #tpu.memory_space<hbm>> -> memref<80xi32, #tpu.memory_space<hbm>>
        tpu.wait_dma2 semaphore(%run_scoped3A : memref<!tpu.dma_semaphore, #tpu.memory_space<semaphore_mem>>) src(%dma_wait3A_22 : memref<80xi32, #tpu.memory_space<hbm>>) dst(%arg8 : memref<80xi32, #tpu.memory_space<vmem>>)
        tpu.yield
      }) : () -> ()
      %dma_start3A = arith.constant 0 : i32
      %dma_start3A_15 = arith.constant 0 : i32
      %dma_start3A_16 = tpu.memref_slice %arg2[%dma_start3A, %dma_start3A_15] : memref<10000x128xf32, #tpu.memory_space<hbm>> -> memref<10000x128xf32, #tpu.memory_space<hbm>>
      tpu.enqueue_indirect_dma source(%dma_start3A_16 : memref<10000x128xf32, #tpu.memory_space<hbm>>) target(%arg9 : memref<80x128xf32, #tpu.memory_space<vmem>>) offsets(%arg7 : memref<80xi32, #tpu.memory_space<vmem>>) semaphore(%arg11 : memref<!tpu.dma_semaphore, #tpu.memory_space<semaphore_mem>>)
      %dma_wait3A = arith.constant 0 : i32
      %dma_wait3A_17 = arith.constant 0 : i32
      %dma_wait3A_18 = tpu.memref_slice %arg2[%dma_wait3A, %dma_wait3A_17] : memref<10000x128xf32, #tpu.memory_space<hbm>> -> memref<10000x128xf32, #tpu.memory_space<hbm>>
      tpu.wait_indirect_dma semaphore(%arg11 : memref<!tpu.dma_semaphore, #tpu.memory_space<semaphore_mem>>) src(%dma_wait3A_18 : memref<10000x128xf32, #tpu.memory_space<hbm>>) dst(%arg9 : memref<80x128xf32, #tpu.memory_space<vmem>>)
      "tpu.region"() ({
        %run_scoped3A = tpu.sem_alloc : memref<!tpu.dma_semaphore, #tpu.memory_space<semaphore_mem>>
        %dma_start3A_19 = arith.constant 0 : i32
        %dma_start3A_20 = arith.constant 0 : i32
        %dma_start3A_21 = tpu.memref_slice %arg10[%dma_start3A_19, %dma_start3A_20] : memref<10240x128xf32, #tpu.memory_space<vmem_shared>> -> memref<10240x128xf32, #tpu.memory_space<vmem_shared>>
        tpu.enqueue_indirect_dma source(%arg9 : memref<80x128xf32, #tpu.memory_space<vmem>>) target(%dma_start3A_21 : memref<10240x128xf32, #tpu.memory_space<vmem_shared>>) offsets(%arg8 : memref<80xi32, #tpu.memory_space<vmem>>) semaphore(%run_scoped3A : memref<!tpu.dma_semaphore, #tpu.memory_space<semaphore_mem>>) {add = true}
        %dma_wait3A_22 = arith.constant 0 : i32
        %dma_wait3A_23 = arith.constant 0 : i32
        %dma_wait3A_24 = tpu.memref_slice %arg10[%dma_wait3A_22, %dma_wait3A_23] : memref<10240x128xf32, #tpu.memory_space<vmem_shared>> -> memref<10240x128xf32, #tpu.memory_space<vmem_shared>>
        tpu.wait_indirect_dma semaphore(%run_scoped3A : memref<!tpu.dma_semaphore, #tpu.memory_space<semaphore_mem>>) src(%arg9 : memref<80x128xf32, #tpu.memory_space<vmem>>) dst(%dma_wait3A_24 : memref<10240x128xf32, #tpu.memory_space<vmem_shared>>)
        tpu.yield
      }) : () -> ()
    }
    %scan3A_9 = arith.constant 125 : i32
    %barrier3A_10 = arith.constant 0 : index
    tpu.barrier barrier_id(%barrier3A_10)
    "tpu.region"() ({
      %run_scoped3A = tpu.sem_alloc : memref<!tpu.dma_semaphore, #tpu.memory_space<semaphore_mem>>
      %dma_start3A = arith.constant 0 : i32
      %dma_start3A_11 = tpu.memref_slice %arg6[%arg0, %mul3A_2, %dma_start3A] : memref<2x10240x128xf32, #tpu.memory_space<hbm>> -> memref<1x640x128xf32, #tpu.memory_space<hbm>>
      %dma_start3A_12 = tpu.memref_squeeze %dma_start3A_11 : memref<1x640x128xf32, #tpu.memory_space<hbm>> -> memref<640x128xf32, #tpu.memory_space<hbm>>
      %dma_start3A_13 = arith.constant 0 : i32
      %dma_start3A_14 = tpu.memref_slice %arg10[%mul3A_2, %dma_start3A_13] : memref<10240x128xf32, #tpu.memory_space<vmem_shared>> -> memref<640x128xf32, #tpu.memory_space<vmem_shared>>
      tpu.enqueue_dma source(%dma_start3A_14 : memref<640x128xf32, #tpu.memory_space<vmem_shared>>) target(%dma_start3A_12 : memref<640x128xf32, #tpu.memory_space<hbm>>) target_semaphore(%run_scoped3A : memref<!tpu.dma_semaphore, #tpu.memory_space<semaphore_mem>>)
      %dma_wait3A = arith.constant 0 : i32
      %dma_wait3A_15 = tpu.memref_slice %arg6[%arg0, %mul3A_2, %dma_wait3A] : memref<2x10240x128xf32, #tpu.memory_space<hbm>> -> memref<1x640x128xf32, #tpu.memory_space<hbm>>
      %dma_wait3A_16 = tpu.memref_squeeze %dma_wait3A_15 : memref<1x640x128xf32, #tpu.memory_space<hbm>> -> memref<640x128xf32, #tpu.memory_space<hbm>>
      %dma_wait3A_17 = arith.constant 0 : i32
      %dma_wait3A_18 = tpu.memref_slice %arg10[%mul3A_2, %dma_wait3A_17] : memref<10240x128xf32, #tpu.memory_space<vmem_shared>> -> memref<640x128xf32, #tpu.memory_space<vmem_shared>>
      tpu.wait_dma2 semaphore(%run_scoped3A : memref<!tpu.dma_semaphore, #tpu.memory_space<semaphore_mem>>) src(%dma_wait3A_18 : memref<640x128xf32, #tpu.memory_space<vmem_shared>>) dst(%dma_wait3A_16 : memref<640x128xf32, #tpu.memory_space<hbm>>)
      tpu.yield
    }) : () -> ()
    return
  }
}

module attributes {stable_mosaic.version = 14 : i64} {
  func.func @body(%arg0: i32, %arg1: memref<2000x128xf32, #tpu.memory_space<vmem>>, %arg2: memref<1x2000x128xf32, #tpu.memory_space<vmem>>, %arg3: memref<1x2000x128xf32, #tpu.memory_space<vmem>>, %arg4: memref<128x128xf32, #tpu.memory_space<vmem>>, %arg5: memref<1x128xf32, #tpu.memory_space<vmem>>, %arg6: memref<128x128xf32, #tpu.memory_space<vmem>>, %arg7: memref<1x128xf32, #tpu.memory_space<vmem>>, %arg8: memref<1x128xf32, #tpu.memory_space<vmem>>, %arg9: memref<1x128xf32, #tpu.memory_space<vmem>>, %arg10: memref<2000x128xf32, #tpu.memory_space<vmem>>) attributes {dimension_semantics = [#tpu.dimension_semantics<arbitrary>], iteration_bounds = array<i64: 5>, scalar_prefetch = 0 : i64, scratch_operands = 0 : i64, tpu.core_type = #tpu.core_type<tc>, window_params = [{transform_indices = @transform_0, window_bounds = array<i64: 2000, 128>}, {transform_indices = @transform_1, window_bounds = array<i64: 1, 2000, 128>}, {transform_indices = @transform_2, window_bounds = array<i64: 1, 2000, 128>}, {pipeline_mode = #tpu.pipeline_mode<synchronous>, transform_indices = @transform_3, window_bounds = array<i64: 128, 128>}, {pipeline_mode = #tpu.pipeline_mode<synchronous>, transform_indices = @transform_4, window_bounds = array<i64: 1, 128>}, {pipeline_mode = #tpu.pipeline_mode<synchronous>, transform_indices = @transform_5, window_bounds = array<i64: 128, 128>}, {pipeline_mode = #tpu.pipeline_mode<synchronous>, transform_indices = @transform_6, window_bounds = array<i64: 1, 128>}, {pipeline_mode = #tpu.pipeline_mode<synchronous>, transform_indices = @transform_7, window_bounds = array<i64: 1, 128>}, {pipeline_mode = #tpu.pipeline_mode<synchronous>, transform_indices = @transform_8, window_bounds = array<i64: 1, 128>}, {transform_indices = @transform_9, window_bounds = array<i64: 2000, 128>}]} {
    %get3A = arith.constant 0 : index
    %get3A_0 = arith.constant 0 : index
    %get3A_1 = vector.load %arg1[%get3A, %get3A_0] : memref<2000x128xf32, #tpu.memory_space<vmem>>, vector<2000x128xf32>
    %get3A_2 = arith.constant 0 : index
    %get3A_3 = arith.constant 0 : index
    %get3A_4 = arith.constant 0 : index
    %get3A_5 = vector.load %arg2[%get3A_2, %get3A_3, %get3A_4] : memref<1x2000x128xf32, #tpu.memory_space<vmem>>, vector<1x2000x128xf32>
    %get3A_6 = vector.shape_cast %get3A_5 : vector<1x2000x128xf32> to vector<2000x128xf32>
    %add3A = arith.addf %get3A_1, %get3A_6 : vector<2000x128xf32>
    %get3A_7 = arith.constant 0 : index
    %get3A_8 = arith.constant 0 : index
    %get3A_9 = arith.constant 0 : index
    %get3A_10 = vector.load %arg3[%get3A_7, %get3A_8, %get3A_9] : memref<1x2000x128xf32, #tpu.memory_space<vmem>>, vector<1x2000x128xf32>
    %get3A_11 = vector.shape_cast %get3A_10 : vector<1x2000x128xf32> to vector<2000x128xf32>
    %add3A_12 = arith.addf %add3A, %get3A_11 : vector<2000x128xf32>
    %get3A_13 = arith.constant 0 : index
    %get3A_14 = arith.constant 0 : index
    %get3A_15 = vector.load %arg4[%get3A_13, %get3A_14] : memref<128x128xf32, #tpu.memory_space<vmem>>, vector<128x128xf32>
    %dot_general3A = arith.constant dense<0.000000e+00> : vector<2000x128xf32>
    %dot_general3A_16 = tpu.matmul %add3A_12, %get3A_15, %dot_general3A {dimension_numbers = #tpu.dot_dimension_numbers<[1], [0], [0], [1], [0, 0, 1, 1], [], []>, precision = #tpu.contract_precision<fp32>, transpose_lhs_hint = false} : vector<2000x128xf32>, vector<128x128xf32>, vector<2000x128xf32> -> vector<2000x128xf32>
    %get3A_17 = arith.constant 0 : index
    %get3A_18 = arith.constant 0 : index
    %get3A_19 = vector.load %arg5[%get3A_17, %get3A_18] : memref<1x128xf32, #tpu.memory_space<vmem>>, vector<1x128xf32>
    %add3A_20 = vector.broadcast %get3A_19 : vector<1x128xf32> to vector<2000x128xf32>
    %add3A_21 = arith.addf %dot_general3A_16, %add3A_20 : vector<2000x128xf32>
    %max3A = arith.constant 0.000000e+00 : f32
    %max3A_22 = vector.broadcast %max3A : f32 to vector<2000x128xf32>
    %max3A_23 = arith.maximumf %add3A_21, %max3A_22 : vector<2000x128xf32>
    %get3A_24 = arith.constant 0 : index
    %get3A_25 = arith.constant 0 : index
    %get3A_26 = vector.load %arg6[%get3A_24, %get3A_25] : memref<128x128xf32, #tpu.memory_space<vmem>>, vector<128x128xf32>
    %dot_general3A_27 = arith.constant dense<0.000000e+00> : vector<2000x128xf32>
    %dot_general3A_28 = tpu.matmul %max3A_23, %get3A_26, %dot_general3A_27 {dimension_numbers = #tpu.dot_dimension_numbers<[1], [0], [0], [1], [0, 0, 1, 1], [], []>, precision = #tpu.contract_precision<fp32>, transpose_lhs_hint = false} : vector<2000x128xf32>, vector<128x128xf32>, vector<2000x128xf32> -> vector<2000x128xf32>
    %get3A_29 = arith.constant 0 : index
    %get3A_30 = arith.constant 0 : index
    %get3A_31 = vector.load %arg7[%get3A_29, %get3A_30] : memref<1x128xf32, #tpu.memory_space<vmem>>, vector<1x128xf32>
    %add3A_32 = vector.broadcast %get3A_31 : vector<1x128xf32> to vector<2000x128xf32>
    %add3A_33 = arith.addf %dot_general3A_28, %add3A_32 : vector<2000x128xf32>
    %max3A_34 = arith.constant 0.000000e+00 : f32
    %max3A_35 = vector.broadcast %max3A_34 : f32 to vector<2000x128xf32>
    %max3A_36 = arith.maximumf %add3A_33, %max3A_35 : vector<2000x128xf32>
    %reduce_sum3A = arith.constant dense<0.000000e+00> : vector<2000xf32>
    %reduce_sum3A_37 = vector.multi_reduction <add>, %max3A_36, %reduce_sum3A [1] : vector<2000x128xf32> to vector<2000xf32>
    %broadcast_in_dim3A = vector.shape_cast %reduce_sum3A_37 : vector<2000xf32> to vector<2000x1xf32>
    %div3A = arith.constant 1.280000e+02 : f32
    %div3A_38 = vector.broadcast %div3A : f32 to vector<2000x1xf32>
    %div3A_39 = arith.divf %broadcast_in_dim3A, %div3A_38 : vector<2000x1xf32>
    %sub3A = vector.broadcast %div3A_39 : vector<2000x1xf32> to vector<2000x128xf32>
    %sub3A_40 = arith.subf %max3A_36, %sub3A : vector<2000x128xf32>
    %integer_pow3A = arith.mulf %sub3A_40, %sub3A_40 : vector<2000x128xf32>
    %reduce_sum3A_41 = arith.constant dense<0.000000e+00> : vector<2000xf32>
    %reduce_sum3A_42 = vector.multi_reduction <add>, %integer_pow3A, %reduce_sum3A_41 [1] : vector<2000x128xf32> to vector<2000xf32>
    %broadcast_in_dim3A_43 = vector.shape_cast %reduce_sum3A_42 : vector<2000xf32> to vector<2000x1xf32>
    %div3A_44 = arith.constant 1.280000e+02 : f32
    %div3A_45 = vector.broadcast %div3A_44 : f32 to vector<2000x1xf32>
    %div3A_46 = arith.divf %broadcast_in_dim3A_43, %div3A_45 : vector<2000x1xf32>
    %sub3A_47 = vector.broadcast %div3A_39 : vector<2000x1xf32> to vector<2000x128xf32>
    %sub3A_48 = arith.subf %max3A_36, %sub3A_47 : vector<2000x128xf32>
    %add3A_49 = arith.constant 9.99999974E-6 : f32
    %add3A_50 = vector.broadcast %add3A_49 : f32 to vector<2000x1xf32>
    %add3A_51 = arith.addf %div3A_46, %add3A_50 : vector<2000x1xf32>
    %rsqrt3A = math.rsqrt %add3A_51 : vector<2000x1xf32>
    %mul3A = vector.broadcast %rsqrt3A : vector<2000x1xf32> to vector<2000x128xf32>
    %mul3A_52 = arith.mulf %sub3A_48, %mul3A : vector<2000x128xf32>
    %get3A_53 = arith.constant 0 : index
    %get3A_54 = arith.constant 0 : index
    %get3A_55 = vector.load %arg8[%get3A_53, %get3A_54] : memref<1x128xf32, #tpu.memory_space<vmem>>, vector<1x128xf32>
    %mul3A_56 = vector.broadcast %get3A_55 : vector<1x128xf32> to vector<2000x128xf32>
    %mul3A_57 = arith.mulf %mul3A_52, %mul3A_56 : vector<2000x128xf32>
    %get3A_58 = arith.constant 0 : index
    %get3A_59 = arith.constant 0 : index
    %get3A_60 = vector.load %arg9[%get3A_58, %get3A_59] : memref<1x128xf32, #tpu.memory_space<vmem>>, vector<1x128xf32>
    %add3A_61 = vector.broadcast %get3A_60 : vector<1x128xf32> to vector<2000x128xf32>
    %add3A_62 = arith.addf %mul3A_57, %add3A_61 : vector<2000x128xf32>
    %swap3A = arith.constant 0 : index
    %swap3A_63 = arith.constant 0 : index
    %swap3A_64 = vector.load %arg10[%swap3A, %swap3A_63] : memref<2000x128xf32, #tpu.memory_space<vmem>>, vector<2000x128xf32>
    tpu.vector_store %arg10[%swap3A, %swap3A_63], %add3A_62 {strides = array<i32>} : memref<2000x128xf32, #tpu.memory_space<vmem>>, vector<2000x128xf32>,
    return
  }
  func.func @transform_0(%arg0: i32) -> (i32, i32) {
    %c0_i32 = arith.constant 0 : i32
    %c0_i32_0 = arith.constant 0 : i32
    return %arg0, %c0_i32 : i32, i32
  }
  func.func @transform_1(%arg0: i32) -> (i32, i32, i32) {
    %c0_i32 = arith.constant 0 : i32
    %c0_i32_0 = arith.constant 0 : i32
    %c0_i32_1 = arith.constant 0 : i32
    return %c0_i32, %arg0, %c0_i32_0 : i32, i32, i32
  }
  func.func @transform_2(%arg0: i32) -> (i32, i32, i32) {
    %c1_i32 = arith.constant 1 : i32
    %c0_i32 = arith.constant 0 : i32
    %c0_i32_0 = arith.constant 0 : i32
    return %c1_i32, %arg0, %c0_i32 : i32, i32, i32
  }
  func.func @transform_3(%arg0: i32) -> (i32, i32) {
    %c0_i32 = arith.constant 0 : i32
    %c0_i32_0 = arith.constant 0 : i32
    %c0_i32_1 = arith.constant 0 : i32
    return %c0_i32, %c0_i32_0 : i32, i32
  }
  func.func @transform_4(%arg0: i32) -> (i32, i32) {
    %c0_i32 = arith.constant 0 : i32
    %c0_i32_0 = arith.constant 0 : i32
    %c0_i32_1 = arith.constant 0 : i32
    return %c0_i32, %c0_i32_0 : i32, i32
  }
  func.func @transform_5(%arg0: i32) -> (i32, i32) {
    %c0_i32 = arith.constant 0 : i32
    %c0_i32_0 = arith.constant 0 : i32
    %c0_i32_1 = arith.constant 0 : i32
    return %c0_i32, %c0_i32_0 : i32, i32
  }
  func.func @transform_6(%arg0: i32) -> (i32, i32) {
    %c0_i32 = arith.constant 0 : i32
    %c0_i32_0 = arith.constant 0 : i32
    %c0_i32_1 = arith.constant 0 : i32
    return %c0_i32, %c0_i32_0 : i32, i32
  }
  func.func @transform_7(%arg0: i32) -> (i32, i32) {
    %c0_i32 = arith.constant 0 : i32
    %c0_i32_0 = arith.constant 0 : i32
    %c0_i32_1 = arith.constant 0 : i32
    return %c0_i32, %c0_i32_0 : i32, i32
  }
  func.func @transform_8(%arg0: i32) -> (i32, i32) {
    %c0_i32 = arith.constant 0 : i32
    %c0_i32_0 = arith.constant 0 : i32
    %c0_i32_1 = arith.constant 0 : i32
    return %c0_i32, %c0_i32_0 : i32, i32
  }
  func.func @transform_9(%arg0: i32) -> (i32, i32) {
    %c0_i32 = arith.constant 0 : i32
    %c0_i32_0 = arith.constant 0 : i32
    return %arg0, %c0_i32 : i32, i32
  }
}

module attributes {stable_mosaic.version = 14 : i64} {
  func.func @body(%arg0: i32, %arg1: memref<2000x128xf32, #tpu.memory_space<vmem>>, %arg2: memref<1x2000x128xf32, #tpu.memory_space<vmem>>, %arg3: memref<1x2000x128xf32, #tpu.memory_space<vmem>>, %arg4: memref<128x128xf32, #tpu.memory_space<vmem>>, %arg5: memref<1x128xf32, #tpu.memory_space<vmem>>, %arg6: memref<128x128xf32, #tpu.memory_space<vmem>>, %arg7: memref<1x128xf32, #tpu.memory_space<vmem>>, %arg8: memref<1x1x2000xi32, #tpu.memory_space<vmem>>, %arg9: memref<128x128xf32, #tpu.memory_space<vmem>>, %arg10: memref<1x128xf32, #tpu.memory_space<vmem>>, %arg11: memref<128x128xf32, #tpu.memory_space<vmem>>, %arg12: memref<1x128xf32, #tpu.memory_space<vmem>>, %arg13: memref<64x128xf32, #tpu.memory_space<vmem>>, %arg14: memref<64x128xf32, #tpu.memory_space<vmem>>, %arg15: memref<64x128xf32, #tpu.memory_space<vmem>>, %arg16: memref<64x128xf32, #tpu.memory_space<vmem>>) attributes {dimension_semantics = [#tpu.dimension_semantics<arbitrary>], iteration_bounds = array<i64: 5>, scalar_prefetch = 0 : i64, scratch_operands = 2 : i64, tpu.core_type = #tpu.core_type<tc>, window_params = [{transform_indices = @transform_0, window_bounds = array<i64: 2000, 128>}, {transform_indices = @transform_1, window_bounds = array<i64: 1, 2000, 128>}, {transform_indices = @transform_2, window_bounds = array<i64: 1, 2000, 128>}, {pipeline_mode = #tpu.pipeline_mode<synchronous>, transform_indices = @transform_3, window_bounds = array<i64: 128, 128>}, {pipeline_mode = #tpu.pipeline_mode<synchronous>, transform_indices = @transform_4, window_bounds = array<i64: 1, 128>}, {pipeline_mode = #tpu.pipeline_mode<synchronous>, transform_indices = @transform_5, window_bounds = array<i64: 128, 128>}, {pipeline_mode = #tpu.pipeline_mode<synchronous>, transform_indices = @transform_6, window_bounds = array<i64: 1, 128>}, {transform_indices = @transform_7, window_bounds = array<i64: 1, 1, 2000>}, {pipeline_mode = #tpu.pipeline_mode<synchronous>, transform_indices = @transform_8, window_bounds = array<i64: 128, 128>}, {pipeline_mode = #tpu.pipeline_mode<synchronous>, transform_indices = @transform_9, window_bounds = array<i64: 1, 128>}, {pipeline_mode = #tpu.pipeline_mode<synchronous>, transform_indices = @transform_10, window_bounds = array<i64: 128, 128>}, {pipeline_mode = #tpu.pipeline_mode<synchronous>, transform_indices = @transform_11, window_bounds = array<i64: 1, 128>}, {pipeline_mode = #tpu.pipeline_mode<synchronous>, transform_indices = @transform_12, window_bounds = array<i64: 64, 128>}, {pipeline_mode = #tpu.pipeline_mode<synchronous>, transform_indices = @transform_13, window_bounds = array<i64: 64, 128>}]} {
    %eq3A = arith.constant 0 : i32
    %eq3A_0 = arith.cmpi eq, %arg0, %eq3A : i32
    %convert_element_type3A = arith.extui %eq3A_0 : i1 to i32
    %cond3A = arith.constant 0 : i32
    %cond3A_1 = arith.cmpi ne, %convert_element_type3A, %cond3A : i32
    scf.if %cond3A_1 {
      %broadcast_in_dim3A_71 = arith.constant 0.000000e+00 : f32
      %broadcast_in_dim3A_72 = vector.broadcast %broadcast_in_dim3A_71 : f32 to vector<64x128xf32>
      %swap3A_73 = arith.constant 0 : index
      %swap3A_74 = arith.constant 0 : index
      %swap3A_75 = vector.load %arg15[%swap3A_73, %swap3A_74] : memref<64x128xf32, #tpu.memory_space<vmem>>, vector<64x128xf32>
      tpu.vector_store %arg15[%swap3A_73, %swap3A_74], %broadcast_in_dim3A_72 {strides = array<i32>} : memref<64x128xf32, #tpu.memory_space<vmem>>, vector<64x128xf32>,
      %broadcast_in_dim3A_76 = arith.constant 0.000000e+00 : f32
      %broadcast_in_dim3A_77 = vector.broadcast %broadcast_in_dim3A_76 : f32 to vector<64x128xf32>
      %swap3A_78 = arith.constant 0 : index
      %swap3A_79 = arith.constant 0 : index
      %swap3A_80 = vector.load %arg16[%swap3A_78, %swap3A_79] : memref<64x128xf32, #tpu.memory_space<vmem>>, vector<64x128xf32>
      tpu.vector_store %arg16[%swap3A_78, %swap3A_79], %broadcast_in_dim3A_77 {strides = array<i32>} : memref<64x128xf32, #tpu.memory_space<vmem>>, vector<64x128xf32>,
    } else {
    }
    %get3A = arith.constant 0 : index
    %get3A_2 = arith.constant 0 : index
    %get3A_3 = vector.load %arg1[%get3A, %get3A_2] : memref<2000x128xf32, #tpu.memory_space<vmem>>, vector<2000x128xf32>
    %get3A_4 = arith.constant 0 : index
    %get3A_5 = arith.constant 0 : index
    %get3A_6 = arith.constant 0 : index
    %get3A_7 = vector.load %arg2[%get3A_4, %get3A_5, %get3A_6] : memref<1x2000x128xf32, #tpu.memory_space<vmem>>, vector<1x2000x128xf32>
    %get3A_8 = vector.shape_cast %get3A_7 : vector<1x2000x128xf32> to vector<2000x128xf32>
    %add3A = arith.addf %get3A_3, %get3A_8 : vector<2000x128xf32>
    %get3A_9 = arith.constant 0 : index
    %get3A_10 = arith.constant 0 : index
    %get3A_11 = arith.constant 0 : index
    %get3A_12 = vector.load %arg3[%get3A_9, %get3A_10, %get3A_11] : memref<1x2000x128xf32, #tpu.memory_space<vmem>>, vector<1x2000x128xf32>
    %get3A_13 = vector.shape_cast %get3A_12 : vector<1x2000x128xf32> to vector<2000x128xf32>
    %add3A_14 = arith.addf %add3A, %get3A_13 : vector<2000x128xf32>
    %get3A_15 = arith.constant 0 : index
    %get3A_16 = arith.constant 0 : index
    %get3A_17 = vector.load %arg4[%get3A_15, %get3A_16] : memref<128x128xf32, #tpu.memory_space<vmem>>, vector<128x128xf32>
    %dot_general3A = arith.constant dense<0.000000e+00> : vector<2000x128xf32>
    %dot_general3A_18 = tpu.matmul %add3A_14, %get3A_17, %dot_general3A {dimension_numbers = #tpu.dot_dimension_numbers<[1], [0], [0], [1], [0, 0, 1, 1], [], []>, precision = #tpu.contract_precision<fp32>, transpose_lhs_hint = false} : vector<2000x128xf32>, vector<128x128xf32>, vector<2000x128xf32> -> vector<2000x128xf32>
    %get3A_19 = arith.constant 0 : index
    %get3A_20 = arith.constant 0 : index
    %get3A_21 = vector.load %arg5[%get3A_19, %get3A_20] : memref<1x128xf32, #tpu.memory_space<vmem>>, vector<1x128xf32>
    %add3A_22 = vector.broadcast %get3A_21 : vector<1x128xf32> to vector<2000x128xf32>
    %add3A_23 = arith.addf %dot_general3A_18, %add3A_22 : vector<2000x128xf32>
    %max3A = arith.constant 0.000000e+00 : f32
    %max3A_24 = vector.broadcast %max3A : f32 to vector<2000x128xf32>
    %max3A_25 = arith.maximumf %add3A_23, %max3A_24 : vector<2000x128xf32>
    %get3A_26 = arith.constant 0 : index
    %get3A_27 = arith.constant 0 : index
    %get3A_28 = vector.load %arg6[%get3A_26, %get3A_27] : memref<128x128xf32, #tpu.memory_space<vmem>>, vector<128x128xf32>
    %dot_general3A_29 = arith.constant dense<0.000000e+00> : vector<2000x128xf32>
    %dot_general3A_30 = tpu.matmul %max3A_25, %get3A_28, %dot_general3A_29 {dimension_numbers = #tpu.dot_dimension_numbers<[1], [0], [0], [1], [0, 0, 1, 1], [], []>, precision = #tpu.contract_precision<fp32>, transpose_lhs_hint = false} : vector<2000x128xf32>, vector<128x128xf32>, vector<2000x128xf32> -> vector<2000x128xf32>
    %get3A_31 = arith.constant 0 : index
    %get3A_32 = arith.constant 0 : index
    %get3A_33 = vector.load %arg7[%get3A_31, %get3A_32] : memref<1x128xf32, #tpu.memory_space<vmem>>, vector<1x128xf32>
    %add3A_34 = vector.broadcast %get3A_33 : vector<1x128xf32> to vector<2000x128xf32>
    %add3A_35 = arith.addf %dot_general3A_30, %add3A_34 : vector<2000x128xf32>
    %max3A_36 = arith.constant 0.000000e+00 : f32
    %max3A_37 = vector.broadcast %max3A_36 : f32 to vector<2000x128xf32>
    %max3A_38 = arith.maximumf %add3A_35, %max3A_37 : vector<2000x128xf32>
    %get3A_39 = arith.constant 0 : index
    %get3A_40 = arith.constant 0 : index
    %get3A_41 = arith.constant 0 : index
    %get3A_42 = vector.load %arg8[%get3A_39, %get3A_40, %get3A_41] : memref<1x1x2000xi32, #tpu.memory_space<vmem>>, vector<1x1x2000xi32>
    %get3A_43 = vector.shape_cast %get3A_42 : vector<1x1x2000xi32> to vector<2000xi32>
    %iota3A = tpu.iota {dimensions = array<i32: 1>} : vector<2000x64xi32>
    %broadcast_in_dim3A = vector.shape_cast %get3A_43 : vector<2000xi32> to vector<2000x1xi32>
    %eq3A_44 = vector.broadcast %broadcast_in_dim3A : vector<2000x1xi32> to vector<2000x64xi32>
    %eq3A_45 = arith.cmpi eq, %eq3A_44, %iota3A : vector<2000x64xi32>
    %convert_element_type3A_46 = arith.extui %eq3A_45 : vector<2000x64xi1> to vector<2000x64xi32>
    %convert_element_type3A_47 = arith.sitofp %convert_element_type3A_46 : vector<2000x64xi32> to vector<2000x64xf32>
    %get3A_48 = arith.constant 0 : index
    %get3A_49 = arith.constant 0 : index
    %get3A_50 = vector.load %arg15[%get3A_48, %get3A_49] : memref<64x128xf32, #tpu.memory_space<vmem>>, vector<64x128xf32>
    %dot_general3A_51 = arith.constant dense<0.000000e+00> : vector<64x128xf32>
    %dot_general3A_52 = tpu.matmul %convert_element_type3A_47, %max3A_38, %dot_general3A_51 {dimension_numbers = #tpu.dot_dimension_numbers<[0], [0], [1], [1], [0, 1, 1, 1], [], []>, precision = #tpu.contract_precision<fp32>, transpose_lhs_hint = false} : vector<2000x64xf32>, vector<2000x128xf32>, vector<64x128xf32> -> vector<64x128xf32>
    %add3A_53 = arith.addf %get3A_50, %dot_general3A_52 : vector<64x128xf32>
    %swap3A = arith.constant 0 : index
    %swap3A_54 = arith.constant 0 : index
    %swap3A_55 = vector.load %arg15[%swap3A, %swap3A_54] : memref<64x128xf32, #tpu.memory_space<vmem>>, vector<64x128xf32>
    tpu.vector_store %arg15[%swap3A, %swap3A_54], %add3A_53 {strides = array<i32>} : memref<64x128xf32, #tpu.memory_space<vmem>>, vector<64x128xf32>,
    %get3A_56 = arith.constant 0 : index
    %get3A_57 = arith.constant 0 : index
    %get3A_58 = vector.load %arg16[%get3A_56, %get3A_57] : memref<64x128xf32, #tpu.memory_space<vmem>>, vector<64x128xf32>
    %reduce_sum3A = arith.constant dense<0.000000e+00> : vector<64xf32>
    %reduce_sum3A_59 = vector.multi_reduction <add>, %convert_element_type3A_47, %reduce_sum3A [0] : vector<2000x64xf32> to vector<64xf32>
    %broadcast_in_dim3A_60 = vector.shape_cast %reduce_sum3A_59 : vector<64xf32> to vector<64x1xf32>
    %add3A_61 = vector.broadcast %broadcast_in_dim3A_60 : vector<64x1xf32> to vector<64x128xf32>
    %add3A_62 = arith.addf %get3A_58, %add3A_61 : vector<64x128xf32>
    %swap3A_63 = arith.constant 0 : index
    %swap3A_64 = arith.constant 0 : index
    %swap3A_65 = vector.load %arg16[%swap3A_63, %swap3A_64] : memref<64x128xf32, #tpu.memory_space<vmem>>, vector<64x128xf32>
    tpu.vector_store %arg16[%swap3A_63, %swap3A_64], %add3A_62 {strides = array<i32>} : memref<64x128xf32, #tpu.memory_space<vmem>>, vector<64x128xf32>,
    %eq3A_66 = arith.constant 4 : i32
    %eq3A_67 = arith.cmpi eq, %arg0, %eq3A_66 : i32
    %convert_element_type3A_68 = arith.extui %eq3A_67 : i1 to i32
    %cond3A_69 = arith.constant 0 : i32
    %cond3A_70 = arith.cmpi ne, %convert_element_type3A_68, %cond3A_69 : i32
    scf.if %cond3A_70 {
      %get3A_71 = arith.constant 0 : index
      %get3A_72 = arith.constant 0 : index
      %get3A_73 = vector.load %arg15[%get3A_71, %get3A_72] : memref<64x128xf32, #tpu.memory_space<vmem>>, vector<64x128xf32>
      %get3A_74 = arith.constant 0 : index
      %get3A_75 = arith.constant 0 : index
      %get3A_76 = vector.load %arg16[%get3A_74, %get3A_75] : memref<64x128xf32, #tpu.memory_space<vmem>>, vector<64x128xf32>
      %max3A_77 = arith.constant 1.000000e+00 : f32
      %max3A_78 = vector.broadcast %max3A_77 : f32 to vector<64x128xf32>
      %max3A_79 = arith.maximumf %get3A_76, %max3A_78 : vector<64x128xf32>
      %div3A = arith.divf %get3A_73, %max3A_79 : vector<64x128xf32>
      %swap3A_80 = arith.constant 0 : index
      %swap3A_81 = arith.constant 0 : index
      %swap3A_82 = vector.load %arg13[%swap3A_80, %swap3A_81] : memref<64x128xf32, #tpu.memory_space<vmem>>, vector<64x128xf32>
      tpu.vector_store %arg13[%swap3A_80, %swap3A_81], %div3A {strides = array<i32>} : memref<64x128xf32, #tpu.memory_space<vmem>>, vector<64x128xf32>,
      %get3A_83 = arith.constant 0 : index
      %get3A_84 = arith.constant 0 : index
      %get3A_85 = vector.load %arg9[%get3A_83, %get3A_84] : memref<128x128xf32, #tpu.memory_space<vmem>>, vector<128x128xf32>
      %dot_general3A_86 = arith.constant dense<0.000000e+00> : vector<64x128xf32>
      %dot_general3A_87 = tpu.matmul %div3A, %get3A_85, %dot_general3A_86 {dimension_numbers = #tpu.dot_dimension_numbers<[1], [0], [0], [1], [0, 0, 1, 1], [], []>, precision = #tpu.contract_precision<fp32>, transpose_lhs_hint = false} : vector<64x128xf32>, vector<128x128xf32>, vector<64x128xf32> -> vector<64x128xf32>
      %get3A_88 = arith.constant 0 : index
      %get3A_89 = arith.constant 0 : index
      %get3A_90 = vector.load %arg10[%get3A_88, %get3A_89] : memref<1x128xf32, #tpu.memory_space<vmem>>, vector<1x128xf32>
      %add3A_91 = vector.broadcast %get3A_90 : vector<1x128xf32> to vector<64x128xf32>
      %add3A_92 = arith.addf %dot_general3A_87, %add3A_91 : vector<64x128xf32>
      %get3A_93 = arith.constant 0 : index
      %get3A_94 = arith.constant 0 : index
      %get3A_95 = vector.load %arg11[%get3A_93, %get3A_94] : memref<128x128xf32, #tpu.memory_space<vmem>>, vector<128x128xf32>
      %dot_general3A_96 = arith.constant dense<0.000000e+00> : vector<64x128xf32>
      %dot_general3A_97 = tpu.matmul %add3A_92, %get3A_95, %dot_general3A_96 {dimension_numbers = #tpu.dot_dimension_numbers<[1], [0], [0], [1], [0, 0, 1, 1], [], []>, precision = #tpu.contract_precision<fp32>, transpose_lhs_hint = false} : vector<64x128xf32>, vector<128x128xf32>, vector<64x128xf32> -> vector<64x128xf32>
      %get3A_98 = arith.constant 0 : index
      %get3A_99 = arith.constant 0 : index
      %get3A_100 = vector.load %arg12[%get3A_98, %get3A_99] : memref<1x128xf32, #tpu.memory_space<vmem>>, vector<1x128xf32>
      %add3A_101 = vector.broadcast %get3A_100 : vector<1x128xf32> to vector<64x128xf32>
      %add3A_102 = arith.addf %dot_general3A_97, %add3A_101 : vector<64x128xf32>
      %iota3A_103 = tpu.iota {dimensions = array<i32: 1>} : vector<64x128xi32>
      %lt3A = arith.constant 2 : i32
      %lt3A_104 = vector.broadcast %lt3A : i32 to vector<64x128xi32>
      %lt3A_105 = arith.cmpi slt, %iota3A_103, %lt3A_104 : vector<64x128xi32>
      %jit3A = arith.constant 0xFF800000 : f32
      %broadcast_in_dim3A_106 = vector.broadcast %jit3A : f32 to vector<64x128xf32>
      %select_n3A = arith.select %lt3A_105, %add3A_102, %broadcast_in_dim3A_106 : vector<64x128xi1>, vector<64x128xf32>
      %reduce_max3A = arith.constant dense<0xFF800000> : vector<64xf32>
      %reduce_max3A_107 = vector.multi_reduction <maximumf>, %select_n3A, %reduce_max3A [1] : vector<64x128xf32> to vector<64xf32>
      %broadcast_in_dim3A_108 = vector.shape_cast %reduce_max3A_107 : vector<64xf32> to vector<64x1xf32>
      %sub3A = vector.broadcast %broadcast_in_dim3A_108 : vector<64x1xf32> to vector<64x128xf32>
      %sub3A_109 = arith.subf %select_n3A, %sub3A : vector<64x128xf32>
      %exp3A = math.exp %sub3A_109 : vector<64x128xf32>
      %jit3A_110 = arith.constant 0.000000e+00 : f32
      %broadcast_in_dim3A_111 = vector.broadcast %jit3A_110 : f32 to vector<64x128xf32>
      %select_n3A_112 = arith.select %lt3A_105, %exp3A, %broadcast_in_dim3A_111 : vector<64x128xi1>, vector<64x128xf32>
      %reduce_sum3A_113 = arith.constant dense<0.000000e+00> : vector<64xf32>
      %reduce_sum3A_114 = vector.multi_reduction <add>, %select_n3A_112, %reduce_sum3A_113 [1] : vector<64x128xf32> to vector<64xf32>
      %broadcast_in_dim3A_115 = vector.shape_cast %reduce_sum3A_114 : vector<64xf32> to vector<64x1xf32>
      %log3A = math.log %broadcast_in_dim3A_115 : vector<64x1xf32>
      %add3A_116 = arith.addf %broadcast_in_dim3A_108, %log3A : vector<64x1xf32>
      %sub3A_117 = vector.broadcast %add3A_116 : vector<64x1xf32> to vector<64x128xf32>
      %sub3A_118 = arith.subf %add3A_102, %sub3A_117 : vector<64x128xf32>
      %jit3A_119 = arith.constant 0.000000e+00 : f32
      %broadcast_in_dim3A_120 = vector.broadcast %jit3A_119 : f32 to vector<64x128xf32>
      %select_n3A_121 = arith.select %lt3A_105, %sub3A_118, %broadcast_in_dim3A_120 : vector<64x128xi1>, vector<64x128xf32>
      %swap3A_122 = arith.constant 0 : index
      %swap3A_123 = arith.constant 0 : index
      %swap3A_124 = vector.load %arg14[%swap3A_122, %swap3A_123] : memref<64x128xf32, #tpu.memory_space<vmem>>, vector<64x128xf32>
      tpu.vector_store %arg14[%swap3A_122, %swap3A_123], %select_n3A_121 {strides = array<i32>} : memref<64x128xf32, #tpu.memory_space<vmem>>, vector<64x128xf32>,
    } else {
    }
    return
  }
  func.func @transform_0(%arg0: i32) -> (i32, i32) {
    %c0_i32 = arith.constant 0 : i32
    %c0_i32_0 = arith.constant 0 : i32
    return %arg0, %c0_i32 : i32, i32
  }
  func.func @transform_1(%arg0: i32) -> (i32, i32, i32) {
    %c0_i32 = arith.constant 0 : i32
    %c0_i32_0 = arith.constant 0 : i32
    %c0_i32_1 = arith.constant 0 : i32
    return %c0_i32, %arg0, %c0_i32_0 : i32, i32, i32
  }
  func.func @transform_2(%arg0: i32) -> (i32, i32, i32) {
    %c1_i32 = arith.constant 1 : i32
    %c0_i32 = arith.constant 0 : i32
    %c0_i32_0 = arith.constant 0 : i32
    return %c1_i32, %arg0, %c0_i32 : i32, i32, i32
  }
  func.func @transform_3(%arg0: i32) -> (i32, i32) {
    %c0_i32 = arith.constant 0 : i32
    %c0_i32_0 = arith.constant 0 : i32
    %c0_i32_1 = arith.constant 0 : i32
    return %c0_i32, %c0_i32_0 : i32, i32
  }
  func.func @transform_4(%arg0: i32) -> (i32, i32) {
    %c0_i32 = arith.constant 0 : i32
    %c0_i32_0 = arith.constant 0 : i32
    %c0_i32_1 = arith.constant 0 : i32
    return %c0_i32, %c0_i32_0 : i32, i32
  }
  func.func @transform_5(%arg0: i32) -> (i32, i32) {
    %c0_i32 = arith.constant 0 : i32
    %c0_i32_0 = arith.constant 0 : i32
    %c0_i32_1 = arith.constant 0 : i32
    return %c0_i32, %c0_i32_0 : i32, i32
  }
  func.func @transform_6(%arg0: i32) -> (i32, i32) {
    %c0_i32 = arith.constant 0 : i32
    %c0_i32_0 = arith.constant 0 : i32
    %c0_i32_1 = arith.constant 0 : i32
    return %c0_i32, %c0_i32_0 : i32, i32
  }
  func.func @transform_7(%arg0: i32) -> (i32, i32, i32) {
    %c0_i32 = arith.constant 0 : i32
    %c0_i32_0 = arith.constant 0 : i32
    %c0_i32_1 = arith.constant 0 : i32
    return %arg0, %c0_i32, %c0_i32_0 : i32, i32, i32
  }
  func.func @transform_8(%arg0: i32) -> (i32, i32) {
    %c0_i32 = arith.constant 0 : i32
    %c0_i32_0 = arith.constant 0 : i32
    %c0_i32_1 = arith.constant 0 : i32
    return %c0_i32, %c0_i32_0 : i32, i32
  }
  func.func @transform_9(%arg0: i32) -> (i32, i32) {
    %c0_i32 = arith.constant 0 : i32
    %c0_i32_0 = arith.constant 0 : i32
    %c0_i32_1 = arith.constant 0 : i32
    return %c0_i32, %c0_i32_0 : i32, i32
  }
  func.func @transform_10(%arg0: i32) -> (i32, i32) {
    %c0_i32 = arith.constant 0 : i32
    %c0_i32_0 = arith.constant 0 : i32
    %c0_i32_1 = arith.constant 0 : i32
    return %c0_i32, %c0_i32_0 : i32, i32
  }
  func.func @transform_11(%arg0: i32) -> (i32, i32) {
    %c0_i32 = arith.constant 0 : i32
    %c0_i32_0 = arith.constant 0 : i32
    %c0_i32_1 = arith.constant 0 : i32
    return %c0_i32, %c0_i32_0 : i32, i32
  }
  func.func @transform_12(%arg0: i32) -> (i32, i32) {
    %c0_i32 = arith.constant 0 : i32
    %c0_i32_0 = arith.constant 0 : i32
    %c0_i32_1 = arith.constant 0 : i32
    return %c0_i32, %c0_i32_0 : i32, i32
  }
  func.func @transform_13(%arg0: i32) -> (i32, i32) {
    %c0_i32 = arith.constant 0 : i32
    %c0_i32_0 = arith.constant 0 : i32
    %c0_i32_1 = arith.constant 0 : i32
    return %c0_i32, %c0_i32_0 : i32, i32
  }
}

</mosaic_0001>

<sc_bundles>
// kernel: kernel.11.cloned.1.call-start
scs
__scs_entry_jumppad:
0x0: {  	(pc) =	sbr.rel $0x88, $3  }
0x1: {  	(tag) =	ssettag $0x0;
	lr =	simm.s32 $0x1  }
0x2: {  	[smem:$0x3F8A] =	sst lr;
	_ =	strace $0xD0000000  }
0x3: {  	_ = 	snop  }
0x4: {  	_ = 	snop  }
0x5: {  	_ = 	snop  }
0x6: {  	_ = 	snop  }
0x7: {  	_ = 	snop  }
__scs_overlays_trampoline_lowered:
0x8: {  	[smem:$0x3F99] =	sst s0  }
0x9: {  	[smem:$0x3F9A] =	sst s1  }
0xa: {  	[smem:$0x3F9B] =	sst s2  }
0xb: {  	[smem:$0x3F9C] =	sst s3  }
0xc: {  	[smem:$0x3F9D] =	sst s4  }
0xd: {  	[smem:$0x3F9E] =	sst s5  }
0xe: {  	[smem:$0x3F9F] =	sst s6  }
0xf: {  	[smem:$0x3FA0] =	sst s7  }
0x10: {  	[smem:$0x3FA1] =	sst s8  }
0x11: {  	[smem:$0x3FA2] =	sst s9;
	s0 =	simm.s32 @!p0 $0x0  }
0x12: {  	s1 =	sld [smem:$0x3F88];
	s0 =	simm.s32 @p0 $0x1  }
0x13: {  	[smem:$0x3FA3] =	sst s0;
	s0 =	simm.s32 @!p1 $0x0  }
0x14: {  	s2 =	sld [smem:$0x3F87];
	s0 =	simm.s32 @p1 $0x1  }
0x15: {  	[smem:$0x3FA4] =	sst s0;
	s0 =	simm.s32 @!p2 $0x0  }
0x16: {  	s3 =	sld [smem:$0x3FDB];
	s0 =	simm.s32 @p2 $0x1  }
0x17: {  	s4 =	simm.s32 $0x1BF5;
	[smem:$0x3FA6] =	sst s0  }
0x18: {  	s0 =	sld [smem:$0x3F89];
	_ =	swait.ge [sflag:s4], $0x0  }
0x19: {  	s7 =	sld [smem:$0x3F8A]  }
0x1a: {  	s8 =	sadd.s32 $0xFFFFE003, lr  }
0x1b: {  	s9 =	sadd.s32 $0xFFFFFEF7, lr;
	s5 =	simm.s32 $0xFFFFFFFF;
	p2 =	slt.u32 s8, $0xFFFFF086  }
0x1c: {  	p1 =	slt.u32 s9, $0xF7A;
	s5 =	simm.s32 @!p2 $0x0  }
0x1d: {  	s5 =	simm.s32 @p1 $0x1;
	p0 =	seq.s32 s7, s2  }
0x1e: {  	s7 =	smul.u32 @!p0 $0xF7A, s2;
	p2 =	seq.s32 @!p0 s5, $0x0  }
0x1f: {  	s9 =	smul.u32 $0xF7A, s1;
	s8 =	simm.s32 @!p0 $0x1BF5;
	p2 =	por !p2, p0  }
0x20: {  	[sflag:s8] =	ssyncset.s32 @!p0 $0xFFFFF086;
	s6 =	sadd.s32 @!p0 s3, s7;
	s7 =	simm.s32 @!p0 $0x108  }
0x21: {  	s3 =	sadd.s32 s3, s9;
	s6 =	sadd.s32 @!p0 $0x88, s6;
	s7 =	simm.s32 @p2 $0x1082  }
0x22: {  	[simem:s7], [sflag:s8] =	dma.local @!p0 [hbm:s6], $0xF7A  }
0x23: {  	s9 =	sor.u32 $0xD0000000, s2;
	s6 =	simm.s32 $0x108;
	_ =	swait.ge @!p0 [sflag:s8], $0x0  }
0x24: {  	s3 =	sadd.s32 $0x88, s3;
	s6 =	simm.s32 @!p1 $0x1082;
	[sflag:s4] =	ssyncset.s32 $0xFFFFF086  }
0x25: {  	[simem:s6], [sflag:s4] =	dma.local [hbm:s3], $0xF7A  }
0x26: {  	[smem:$0x3F8A] =	sst s1;
	(tag) =	ssettag s2;
	_ =	strace s9  }
0x27: {  	s1 =	sld [smem:$0x3F9A]  }
0x28: {  	s2 =	sld [smem:$0x3F9B]  }
0x29: {  	s4 =	sld [smem:$0x3F9D]  }
0x2a: {  	p0 =	seq.s32 s5, $0x0;
	s5 =	sld [smem:$0x3F9E]  }
0x2b: {  	s6 =	sld [smem:$0x3F9F]  }
0x2c: {  	s7 =	sld [smem:$0x3FA0]  }
0x2d: {  	s3 =	simm.s32 $0x108;
	s8 =	sld [smem:$0x3FA1]  }
0x2e: {  	s3 =	simm.s32 @!p0 $0x1082;
	s9 =	sld [smem:$0x3FA2]  }
0x2f: {  	lr =	sadd.s32 s0, s3;
	s0 =	sld [smem:$0x3F99]  }
0x30: {  	s3 =	sld [smem:$0x3F9C]  }
0x31: {  	[smem:$0x3FA5] =	sst s10  }
0x32: {  	s10 =	sld [smem:$0x3FA3];
	_ =	sdelay $0x3  }
0x33: {  	p0 =	seq.s32 s10, $0x1;
	s10 =	sld [smem:$0x3FA5];
	_ =	sdelay $0x3  }
0x34: {  	[smem:$0x3FA5] =	sst s10  }
0x35: {  	s10 =	sld [smem:$0x3FA4];
	_ =	sdelay $0x3  }
0x36: {  	p1 =	seq.s32 s10, $0x1;
	s10 =	sld [smem:$0x3FA5];
	_ =	sdelay $0x3  }
0x37: {  	[smem:$0x3FA5] =	sst s10  }
0x38: {  	s10 =	sld [smem:$0x3FA6]  }
0x39: {  	_ = 	snop;
	(pc) =	sbr.ind lr, $3  }
0x3a: {  	_ = 	snop  }
0x3b: {  	_ = 	snop  }
0x3c: {  	p2 =	seq.s32 s10, $0x1;
	s10 =	sld [smem:$0x3FA5]  }
0x3d: {  	_ =	shalt  }
0x3e: {  	_ =	shalt  }
0x3f: {  	_ =	shalt  }
0x40: {  	_ =	shalt  }
0x41: {  	_ =	shalt  }
0x42: {  	_ =	shalt  }
0x43: {  	_ =	shalt  }
0x44: {  	_ =	shalt  }
0x45: {  	_ =	shalt  }
0x46: {  	_ =	shalt  }
0x47: {  	_ =	shalt  }
0x48: {  	_ =	shalt  }
0x49: {  	_ =	shalt  }
0x4a: {  	_ =	shalt  }
0x4b: {  	_ =	shalt  }
0x4c: {  	_ =	shalt  }
0x4d: {  	_ =	shalt  }
0x4e: {  	_ =	shalt  }
0x4f: {  	_ =	shalt  }
0x50: {  	_ =	shalt  }
0x51: {  	_ =	shalt  }
0x52: {  	_ =	shalt  }
0x53: {  	_ =	shalt  }
0x54: {  	_ =	shalt  }
0x55: {  	_ =	shalt  }
0x56: {  	_ =	shalt  }
0x57: {  	_ =	shalt  }
0x58: {  	_ =	shalt  }
0x59: {  	_ =	shalt  }
0x5a: {  	_ =	shalt  }
0x5b: {  	_ =	shalt  }
0x5c: {  	_ =	shalt  }
0x5d: {  	_ =	shalt  }
0x5e: {  	_ =	shalt  }
0x5f: {  	_ =	shalt  }
0x60: {  	_ =	shalt  }
0x61: {  	_ =	shalt  }
0x62: {  	_ =	shalt  }
0x63: {  	_ =	shalt  }
0x64: {  	_ =	shalt  }
0x65: {  	_ =	shalt  }
0x66: {  	_ =	shalt  }
0x67: {  	_ =	shalt  }
0x68: {  	_ =	shalt  }
0x69: {  	_ =	shalt  }
0x6a: {  	_ =	shalt  }
0x6b: {  	_ =	shalt  }
0x6c: {  	_ =	shalt  }
0x6d: {  	_ =	shalt  }
0x6e: {  	_ =	shalt  }
0x6f: {  	_ =	shalt  }
0x70: {  	_ =	shalt  }
0x71: {  	_ =	shalt  }
0x72: {  	_ =	shalt  }
0x73: {  	_ =	shalt  }
0x74: {  	_ =	shalt  }
0x75: {  	_ =	shalt  }
0x76: {  	_ =	shalt  }
0x77: {  	_ =	shalt  }
0x78: {  	_ =	shalt  }
0x79: {  	_ =	shalt  }
0x7a: {  	_ =	shalt  }
0x7b: {  	_ =	shalt  }
0x7c: {  	_ =	shalt  }
0x7d: {  	_ =	shalt  }
0x7e: {  	_ =	shalt  }
0x7f: {  	_ =	shalt  }
0x80: {  	_ =	shalt  }
0x81: {  	_ =	shalt  }
0x82: {  	_ =	shalt  }
0x83: {  	_ =	shalt  }
0x84: {  	_ =	shalt  }
0x85: {  	_ =	shalt  }
0x86: {  	_ =	shalt  }
0x87: {  	_ =	shalt  }
.Lfunc_end0:
.L_simem_size_0:
called_computation.1_lowered:
.L_overlay_start_0:
0x88: {  	s2 =	sld [smem:$0x3FD9]  }
0x89: {  	s3 =	sld [smem:$0x3FFE];
	_ =	sdelay $0x1  }
0x8a: {  	s1 =	srdreg.scid  }
0x8b: {  	s0 =	sand.u32 $0x1, s1  }
0x8c: {  	s16 =	sshll.u32 s0, $0xA;
	s2 =	sadd.s32 s3, s2  }
0x8d: {  	s2 =	sadd.s32 s2, s16  }
0x8e: {  	[smem:$0x3FB1] =	sst s2  }
0x8f: {  	_ = 	snop  }
0x90: {  	(tm) =	ssettm $0x1  }
0x91: {  	s17 =	sld [smem:$0x3FFB];
	_ =	sdelay $0x3  }
0x92: {  	_ =	strace s17  }
0x93: {  	s2 =	sld [smem:$0x3FFC];
	_ =	sdelay $0x3  }
0x94: {  	_ =	strace s2  }
0x95: {  	s2 =	sld [smem:$0x3FFD];
	_ =	sdelay $0x3  }
0x96: {  	_ =	strace s2  }
0x97: {  	_ =	strace $0x8FFFFFFF  }
0x98: {  	s18 =	sld [smem:$0x3FDB];
	_ =	sdelay $0x1  }
0x99: {  	s19 =	simm.s32 $_scs_section_size  }
0x9a: {  	s4 =	simm.s32 $_size__tile_overlayer_lowered;
	s5 =	simm.s32 $_tile_overlayer_lowered  }
0x9b: {  	s22 =	simm.s32 $0x1BFF;
	s21 =	sshll.u32 s5, $0x1;
	s2 =	sadd.s32 s19, s18  }
0x9c: {  	s6 =	simm.s32 $0x0;
	s20 =	sshll.u32 s4, $0x1;
	s4 =	sadd.s32 s21, s2  }
0x9d: {  	[timem:s6], [sflag:s22] =	dma.local [hbm:s4], s20  }
0x9e: {  	_ =	swait.ge [sflag:s22], s20  }
0x9f: {  	s3 =	ssub.s32 $0x0, s20;
	[sflag:s22] =	ssyncset.done $0x0  }
0xa0: {  	[sflag:s22] =	ssyncadd.s32 s3;
	_ =	sdelay $0x1  }
0xa1: {  	s23 =	simm.s32 $0x1B8B  }
0xa2: {  	_ =	swait.ge [sflag:s23], $0x1  }
0xa3: {  	[sflag:s23] =	ssyncset.done $0x0  }
0xa4: {  	s25 =	simm.s32 $0x1B8E;
	s24 =	sld [smem:$0x3FFE];
	[sflag:s23] =	ssyncadd.s32 $0xFFFFFFFF  }
0xa5: {  	s26 =	simm.s32 $execute0_lowered;
	[smem:$0x3FD2] =	sst s25  }
0xa6: {  	s4 =	sshll.u32 s26, $0x1;
	_ =	strace $0x80000049;
	[dreg:$0x1] =	wrdreg $0xFFFFFFFF  }
0xa7: {  	s28 =	simm.s32 $_size_execute0_lowered;
	s2 =	sadd.s32 s2, s4;
	[dreg:$0x0] =	wrdreg $0x0  }
0xa8: {  	s4 =	sshll.u32 s28, $0x1;
	[dreg:$0x2] =	wrdreg s2  }
0xa9: {  	[dreg:$0x3] =	wrdreg s4  }
0xaa: {  	[dreg:$0x4] =	wrdreg $0xC0  }
0xab: {  	_ =	task [dreg:s6], $0x5FFFF  }
0xac: {  	[dreg:$0x1] =	wrdreg $0xFFFFFFFF  }
0xad: {  	[dreg:$0x0] =	wrdreg $0x60  }
0xae: {  	[dreg:$0x2] =	wrdreg s24  }
0xaf: {  	[dreg:$0x3] =	wrdreg $0x29000  }
0xb0: {  	[dreg:$0x4] =	wrdreg $0x9  }
0xb1: {  	_ =	task.clear_ibuf [dreg:s6], $0x5FFFF;
	_ =	strace $0x90000049  }
0xb2: {  	s29 =	simm.s32 $0x9;
	_ =	strace $0x8000004B  }
0xb3: {  	_ =	swait.ge [sflag:s29], $0x1  }
0xb4: {  	[sflag:s29] =	ssyncadd.s32 $0xFFFFFFFF  }
0xb5: {  	_ =	strace $0x9000004B  }
0xb6: {  	_ =	sfence  }
0xb7: {  	s30 =	sld [smem:$0x0];
	_ =	sdelay $0x2  }
0xb8: {  	s31 =	sshll.u32 s1, $0xD;
	s1 =	sshrl.u32 s1, $0x2  }
0xb9: {  	s3 =	sand.u32 $0x4000, s31;
	s1 =	sadd.s32 s1, s30  }
0xba: {  	s0 =	sor.u32 s3, s0;
	s1 =	sshll.u32 s1, $0x11  }
0xbb: {  	s0 =	sor.u32 s1, s0  }
0xbc: {  	s0 =	sadd.s32 $0x8F2B, s0  }
0xbd: {  	[sflag:s0] =	ssyncadd.remote.s32 $0x1  }
0xbe: {  	_ =	sfence.sel $0xFFFF  }
0xbf: {  	[dreg:$0x0] =	wrdreg $0xFFFFFFFF;
	(pc) =	sbr.abs _section_cstart, $3  }
0xc0: {  	[dreg:$0x1] =	wrdreg $0xFFFFFFFF  }
0xc1: {  	_ =	task.clear_ibuf [dreg:s6], $0x2FFFF;
	_ =	strace $0x9FFFFFFF  }
0xc2: {  	(tm) =	ssettm $0x7FFFFFFF  }
0xc3: {  	_ =	shalt  }
tec
execute0_lowered:
.L_overlay_start_1:
0x0: {  	(tag) =	ssettag $0x1  }
0x1: {  	s1 =	srdreg.scid  }
0x2: {  	s0 =	stileid.u32;
	s5 =	rddreg [dreg:$0x0]  }
0x3: {  	s2 =	rddreg [dreg:$0x1];
	s3 =	simm.s32 $0x0;
	s13 =	simm.s32 $0x80  }
0x4: {  	s14 =	simm.s32 $0x50;
	s15 =	simm.s32 $0x100;
	s4 =	smul.u32 $0x4E20, s0  }
0x5: {  	s16 =	simm.s32 $0x1;
	s17 =	simm.s32 $0x0;
	s26 =	smul.u32 $0x14000, s0  }
0x6: {  	s6 =	sand.u32 $0x1, s1;
	s1 =	rddreg [dreg:$0x2];
	s29 =	smul.u32 $0x50000, s0  }
0x7: {  	[smem:$0x7FF] =	sst s3;
	s31 =	sshll.u32 s0, $0x6;
	s7 =	smul.u32 $0x2710, s6  }
0x8: {  	_ =	strace $0x8000004A;
	s9 =	smul.u32 $0x140000, s6;
	s6 =	ssub.s32 $0x2, s6  }
0x9: {  	s28 =	sshrl.u32 s26, $0x3;
	s11 =	sshrl.u32 s6, $0x1;
	s30 =	sshrl.u32 s29, $0x2  }
0xa: {  	s4 =	sadd.s32 s7, s4;
	s7 =	sadd.s32 s26, s9;
	s11 =	ssub.s32 s6, s11  }
0xb: {  	s12 =	sadd.s32 s30, s2;
	s6 =	sor.u32 $0x1C02, s31;
	s8 =	sshrl.u32 s4, $0x3  }
0xc: {  	s7 =	sshrl.u32 s7, $0x3;
	s10 =	sadd.s32 s8, s5;
	s8 =	sadd.s32 s28, s5  }
0xd: {  	s4 =	sadd.s32 $0x3FC00, s5;
	s7 =	sadd.s32 s7, s5;
	s5 =	sadd.s32 $0x17C00, s8  }
0xe: {  	s7 =	sadd.s32 $0x66E00, s7;
	s8 =	smax.u32 s11, $0x1;
	s9 =	sadd.s32 $0x4000, s10  }
0xf: {  	s10 =	sadd.s32 $0xDE00, s10;
	s11 =	sshrl.u32 s12, $0x3;
	s12 =	simm.s32 $0x2  }
.LBB2_1:
0x10: {  	[spmem:s11], [sflag:s6] =	dma.local [hbm:s5], $0x2800  }
0x11: {  	_ =	swait.ge [sflag:s12], $0x2800  }
0x12: {  	[sflag:s12] =	ssyncset.done $0x0  }
0x13: {  	[sflag:s12] =	ssyncadd.s32 $0xFFFFD800  }
0x14: {  	s18 =	sadd.s32 $0x0, s10;
	[bflag:$0x0] =	sbarrier.arrive $0xFFFF  }
0x15: {  	[tilespmem:s3], [sflag:$0x2] =	stream.linear.gather [hbm4b:s18+s3], $0x50, $0x38;
	[tilespmem:$0x16900] =	vst v63  }
0x16: {  	_ =	swait.ge [sflag:s12], $0x50  }
0x17: {  	[sflag:s12] =	ssyncset.done $0x0  }
0x18: {  	s31 =	sadd.s32 $0x0, s9;
	[sflag:s12] =	ssyncadd.s32 $0xFFFFFFB0  }
0x19: {  	[tilespmem:s13], [sflag:$0x2] =	stream.linear.gather [hbm4b:s31+s3], $0x50, $0x38;
	[tilespmem:$0x16900] =	vst v63  }
0x1a: {  	_ =	swait.ge [sflag:s12], $0x50  }
0x1b: {  	[sflag:s12] =	ssyncset.done $0x0  }
0x1c: {  	[sflag:s12] =	ssyncadd.s32 $0xFFFFFFB0  }
0x1d: {  	[tilespmem:s15], [sflag:$0x1] =	stream.indirect.gather [hbm4b:s4+s14], $0x80, s3, s14, $0xb8;
	[tilespmem:$0x16900] =	vst v63  }
0x1e: {  	_ =	swait.ge [sflag:s16], $0x2800  }
0x1f: {  	[sflag:s16] =	ssyncset.done $0x0  }
0x20: {  	[sflag:s16] =	ssyncadd.s32 $0xFFFFD800  }
0x21: {  	[spmem:s2] =	stream.indirect.scatter.add.f32 [tilespmem:s15], [sflag:$0x2], $0x80, s13, s14, $0xb8;
	[tilespmem:$0x16900] =	vst v63  }
0x22: {  	_ =	swait.ge [sflag:s12], $0x2800  }
0x23: {  	s19 =	simm.s32 $0x14;
	s18 =	simm.s32 $0xA;
	[sflag:s12] =	ssyncset.done $0x0  }
.LBB2_2:
0x24: {  	s20 =	sadd.s32 s18, s10  }
0x25: {  	[sflag:s12] =	ssyncadd.s32 $0xFFFFD800;
	s21 =	smov.u32 s19;
	s22 =	sadd.s32 $0xA, s19  }
0x26: {  	[tilespmem:s3], [sflag:$0x2] =	stream.linear.gather [hbm4b:s20+s3], $0x50, $0x38;
	[tilespmem:$0x16900] =	vst v63  }
0x27: {  	p0 =	sne.s32 s19, $0x4D8;
	_ =	swait.ge [sflag:s12], $0x50  }
0x28: {  	[sflag:s12] =	ssyncset.done $0x0  }
0x29: {  	s19 =	sadd.s32 s18, s9;
	s18 =	smov.u32 s21;
	[sflag:s12] =	ssyncadd.s32 $0xFFFFFFB0  }
0x2a: {  	[tilespmem:s13], [sflag:$0x2] =	stream.linear.gather [hbm4b:s19+s3], $0x50, $0x38;
	[tilespmem:$0x16900] =	vst v63  }
0x2b: {  	_ =	swait.ge [sflag:s12], $0x50  }
0x2c: {  	[sflag:s12] =	ssyncset.done $0x0  }
0x2d: {  	[sflag:s12] =	ssyncadd.s32 $0xFFFFFFB0  }
0x2e: {  	[tilespmem:s15], [sflag:$0x1] =	stream.indirect.gather [hbm4b:s4+s14], $0x80, s3, s14, $0xb8;
	[tilespmem:$0x16900] =	vst v63  }
0x2f: {  	_ =	swait.ge [sflag:s16], $0x2800  }
.Ltmp0:
0x30: {  	[sflag:s16] =	ssyncset.done $0x0;
	(pc) =	sbr.rel @p0 .LBB2_2-.Ltmp0, $4  }
0x31: {  	[sflag:s16] =	ssyncadd.s32 $0xFFFFD800  }
0x32: {  	[spmem:s2] =	stream.indirect.scatter.add.f32 [tilespmem:s15], [sflag:$0x2], $0x80, s13, s14, $0xb8;
	[tilespmem:$0x16900] =	vst v63  }
0x33: {  	_ =	swait.ge [sflag:s12], $0x2800  }
0x34: {  	s19 =	smov.u32 s22;
	[sflag:s12] =	ssyncset.done $0x0  }
0x35: {  	s19 =	sadd.s32 s18, s10;
	[sflag:s12] =	ssyncadd.s32 $0xFFFFD800  }
0x36: {  	[tilespmem:s3], [sflag:$0x2] =	stream.linear.gather [hbm4b:s19+s3], $0x50, $0x38;
	[tilespmem:$0x16900] =	vst v63  }
0x37: {  	_ =	swait.ge [sflag:s12], $0x50  }
0x38: {  	[sflag:s12] =	ssyncset.done $0x0  }
0x39: {  	s31 =	sadd.s32 s18, s9;
	[sflag:s12] =	ssyncadd.s32 $0xFFFFFFB0  }
0x3a: {  	[tilespmem:s13], [sflag:$0x2] =	stream.linear.gather [hbm4b:s31+s3], $0x50, $0x38;
	[tilespmem:$0x16900] =	vst v63  }
0x3b: {  	_ =	swait.ge [sflag:s12], $0x50  }
0x3c: {  	[sflag:s12] =	ssyncset.done $0x0  }
0x3d: {  	[sflag:s12] =	ssyncadd.s32 $0xFFFFFFB0  }
0x3e: {  	[tilespmem:s15], [sflag:$0x1] =	stream.indirect.gather [hbm4b:s4+s14], $0x80, s3, s14, $0xb8;
	[tilespmem:$0x16900] =	vst v63  }
0x3f: {  	_ =	swait.ge [sflag:s16], $0x2800  }
0x40: {  	[sflag:s16] =	ssyncset.done $0x0  }
0x41: {  	[sflag:s16] =	ssyncadd.s32 $0xFFFFD800  }
0x42: {  	[spmem:s2] =	stream.indirect.scatter.add.f32 [tilespmem:s15], [sflag:$0x2], $0x80, s13, s14, $0xb8;
	[tilespmem:$0x16900] =	vst v63  }
0x43: {  	_ =	swait.ge [sflag:s12], $0x2800  }
0x44: {  	s17 =	sadd.s32 $0x1, s17;
	[sflag:s12] =	ssyncset.done $0x0  }
0x45: {  	p0 =	sne.s32 s17, s8;
	[sflag:s12] =	ssyncadd.s32 $0xFFFFD800  }
.Ltmp1:
0x46: {  	[bflag:$0x0] =	sbarrier.arrive $0xFFFF;
	(pc) =	sbr.rel @p0 .LBB2_1-.Ltmp1, $4  }
0x47: {  	[hbm:s7], [sflag:s6] =	dma.local [spmem:s11], $0x2800  }
0x48: {  	_ =	swait.ge [sflag:s12], $0x2800  }
0x49: {  	[sflag:s12] =	ssyncset.done $0x0  }
0x4a: {  	[sflag:s12] =	ssyncadd.s32 $0xFFFFD800  }
0x4b: {  	_ =	sfence.sel $0x180000  }
0x4c: {  	[bflag:$0x0] =	sbarrier.arrive $0xFFFF  }
0x4d: {  	p0 =	sne.s32 s0, $0x0;
	_ =	strace $0x9000004A  }
0x4e: {  	s0 =	sadd.s32 @!p0 $0x100000, s1;
	[bflag:$0x2] =	sbarrier.arrive $0xFFFF  }
0x4f: {  	[sflag:s0] =	ssyncadd.tile.s32 @!p0 $0x1;
	_ =	shalt  }
.Lfunc_end2:
_tile_overlayer_lowered:
.L_overlay_start_2:
0x50: {  	(tag) =	ssettag $0x2  }
0x51: {  	s0 =	rddreg [dreg:$0x0];
	s2 =	stileid.u32  }
0x52: {  	s1 =	rddreg [dreg:$0x1];
	p0 =	sne.s32 s2, $0x0  }
0x53: {  	s3 =	rddreg [dreg:$0x2];
	[bflag:$0x3] =	sbarrier.arrive $0xFFFF;
	s2 =	simm.s32 @!p0 $0x1C02  }
0x54: {  	[timem:s3], [sflag:s2] =	dma.local @!p0 [hbm:s0], s1  }
0x55: {  	s0 =	simm.s32 @!p0 $0x2  }
0x56: {  	_ =	swait.ge @!p0 [sflag:s0], s1  }
0x57: {  	s1 =	ssub.s32 @!p0 $0x0, s1;
	[sflag:s0] =	ssyncset.done @!p0 $0x0  }
0x58: {  	[sflag:s0] =	ssyncadd.s32 @!p0 s1  }
0x59: {  	[bflag:$0x3] =	sbarrier.arrive $0xFFFF  }
0x5a: {  	_ =	shalt  }

// kernel: kernel.14.cloned.1.call-start
scs
__scs_entry_jumppad:
0x0: {  	(pc) =	sbr.rel $0x88, $3  }
0x1: {  	(tag) =	ssettag $0x0;
	lr =	simm.s32 $0x1  }
0x2: {  	[smem:$0x3F8A] =	sst lr;
	_ =	strace $0xD0000000  }
0x3: {  	_ = 	snop  }
0x4: {  	_ = 	snop  }
0x5: {  	_ = 	snop  }
0x6: {  	_ = 	snop  }
0x7: {  	_ = 	snop  }
__scs_overlays_trampoline_lowered:
0x8: {  	[smem:$0x3F99] =	sst s0  }
0x9: {  	[smem:$0x3F9A] =	sst s1  }
0xa: {  	[smem:$0x3F9B] =	sst s2  }
0xb: {  	[smem:$0x3F9C] =	sst s3  }
0xc: {  	[smem:$0x3F9D] =	sst s4  }
0xd: {  	[smem:$0x3F9E] =	sst s5  }
0xe: {  	[smem:$0x3F9F] =	sst s6  }
0xf: {  	[smem:$0x3FA0] =	sst s7  }
0x10: {  	[smem:$0x3FA1] =	sst s8  }
0x11: {  	[smem:$0x3FA2] =	sst s9;
	s0 =	simm.s32 @!p0 $0x0  }
0x12: {  	s1 =	sld [smem:$0x3F88];
	s0 =	simm.s32 @p0 $0x1  }
0x13: {  	[smem:$0x3FA3] =	sst s0;
	s0 =	simm.s32 @!p1 $0x0  }
0x14: {  	s2 =	sld [smem:$0x3F87];
	s0 =	simm.s32 @p1 $0x1  }
0x15: {  	[smem:$0x3FA4] =	sst s0;
	s0 =	simm.s32 @!p2 $0x0  }
0x16: {  	s3 =	sld [smem:$0x3FDB];
	s0 =	simm.s32 @p2 $0x1  }
0x17: {  	s4 =	simm.s32 $0x1BF5;
	[smem:$0x3FA6] =	sst s0  }
0x18: {  	s0 =	sld [smem:$0x3F89];
	_ =	swait.ge [sflag:s4], $0x0  }
0x19: {  	s7 =	sld [smem:$0x3F8A]  }
0x1a: {  	s8 =	sadd.s32 $0xFFFFE003, lr  }
0x1b: {  	s9 =	sadd.s32 $0xFFFFFEF7, lr;
	s5 =	simm.s32 $0xFFFFFFFF;
	p2 =	slt.u32 s8, $0xFFFFF086  }
0x1c: {  	p1 =	slt.u32 s9, $0xF7A;
	s5 =	simm.s32 @!p2 $0x0  }
0x1d: {  	s5 =	simm.s32 @p1 $0x1;
	p0 =	seq.s32 s7, s2  }
0x1e: {  	s7 =	smul.u32 @!p0 $0xF7A, s2;
	p2 =	seq.s32 @!p0 s5, $0x0  }
0x1f: {  	s9 =	smul.u32 $0xF7A, s1;
	s8 =	simm.s32 @!p0 $0x1BF5;
	p2 =	por !p2, p0  }
0x20: {  	[sflag:s8] =	ssyncset.s32 @!p0 $0xFFFFF086;
	s6 =	sadd.s32 @!p0 s3, s7;
	s7 =	simm.s32 @!p0 $0x108  }
0x21: {  	s3 =	sadd.s32 s3, s9;
	s6 =	sadd.s32 @!p0 $0x88, s6;
	s7 =	simm.s32 @p2 $0x1082  }
0x22: {  	[simem:s7], [sflag:s8] =	dma.local @!p0 [hbm:s6], $0xF7A  }
0x23: {  	s9 =	sor.u32 $0xD0000000, s2;
	s6 =	simm.s32 $0x108;
	_ =	swait.ge @!p0 [sflag:s8], $0x0  }
0x24: {  	s3 =	sadd.s32 $0x88, s3;
	s6 =	simm.s32 @!p1 $0x1082;
	[sflag:s4] =	ssyncset.s32 $0xFFFFF086  }
0x25: {  	[simem:s6], [sflag:s4] =	dma.local [hbm:s3], $0xF7A  }
0x26: {  	[smem:$0x3F8A] =	sst s1;
	(tag) =	ssettag s2;
	_ =	strace s9  }
0x27: {  	s1 =	sld [smem:$0x3F9A]  }
0x28: {  	s2 =	sld [smem:$0x3F9B]  }
0x29: {  	s4 =	sld [smem:$0x3F9D]  }
0x2a: {  	p0 =	seq.s32 s5, $0x0;
	s5 =	sld [smem:$0x3F9E]  }
0x2b: {  	s6 =	sld [smem:$0x3F9F]  }
0x2c: {  	s7 =	sld [smem:$0x3FA0]  }
0x2d: {  	s3 =	simm.s32 $0x108;
	s8 =	sld [smem:$0x3FA1]  }
0x2e: {  	s3 =	simm.s32 @!p0 $0x1082;
	s9 =	sld [smem:$0x3FA2]  }
0x2f: {  	lr =	sadd.s32 s0, s3;
	s0 =	sld [smem:$0x3F99]  }
0x30: {  	s3 =	sld [smem:$0x3F9C]  }
0x31: {  	[smem:$0x3FA5] =	sst s10  }
0x32: {  	s10 =	sld [smem:$0x3FA3];
	_ =	sdelay $0x3  }
0x33: {  	p0 =	seq.s32 s10, $0x1;
	s10 =	sld [smem:$0x3FA5];
	_ =	sdelay $0x3  }
0x34: {  	[smem:$0x3FA5] =	sst s10  }
0x35: {  	s10 =	sld [smem:$0x3FA4];
	_ =	sdelay $0x3  }
0x36: {  	p1 =	seq.s32 s10, $0x1;
	s10 =	sld [smem:$0x3FA5];
	_ =	sdelay $0x3  }
0x37: {  	[smem:$0x3FA5] =	sst s10  }
0x38: {  	s10 =	sld [smem:$0x3FA6]  }
0x39: {  	_ = 	snop;
	(pc) =	sbr.ind lr, $3  }
0x3a: {  	_ = 	snop  }
0x3b: {  	_ = 	snop  }
0x3c: {  	p2 =	seq.s32 s10, $0x1;
	s10 =	sld [smem:$0x3FA5]  }
0x3d: {  	_ =	shalt  }
0x3e: {  	_ =	shalt  }
0x3f: {  	_ =	shalt  }
0x40: {  	_ =	shalt  }
0x41: {  	_ =	shalt  }
0x42: {  	_ =	shalt  }
0x43: {  	_ =	shalt  }
0x44: {  	_ =	shalt  }
0x45: {  	_ =	shalt  }
0x46: {  	_ =	shalt  }
0x47: {  	_ =	shalt  }
0x48: {  	_ =	shalt  }
0x49: {  	_ =	shalt  }
0x4a: {  	_ =	shalt  }
0x4b: {  	_ =	shalt  }
0x4c: {  	_ =	shalt  }
0x4d: {  	_ =	shalt  }
0x4e: {  	_ =	shalt  }
0x4f: {  	_ =	shalt  }
0x50: {  	_ =	shalt  }
0x51: {  	_ =	shalt  }
0x52: {  	_ =	shalt  }
0x53: {  	_ =	shalt  }
0x54: {  	_ =	shalt  }
0x55: {  	_ =	shalt  }
0x56: {  	_ =	shalt  }
0x57: {  	_ =	shalt  }
0x58: {  	_ =	shalt  }
0x59: {  	_ =	shalt  }
0x5a: {  	_ =	shalt  }
0x5b: {  	_ =	shalt  }
0x5c: {  	_ =	shalt  }
0x5d: {  	_ =	shalt  }
0x5e: {  	_ =	shalt  }
0x5f: {  	_ =	shalt  }
0x60: {  	_ =	shalt  }
0x61: {  	_ =	shalt  }
0x62: {  	_ =	shalt  }
0x63: {  	_ =	shalt  }
0x64: {  	_ =	shalt  }
0x65: {  	_ =	shalt  }
0x66: {  	_ =	shalt  }
0x67: {  	_ =	shalt  }
0x68: {  	_ =	shalt  }
0x69: {  	_ =	shalt  }
0x6a: {  	_ =	shalt  }
0x6b: {  	_ =	shalt  }
0x6c: {  	_ =	shalt  }
0x6d: {  	_ =	shalt  }
0x6e: {  	_ =	shalt  }
0x6f: {  	_ =	shalt  }
0x70: {  	_ =	shalt  }
0x71: {  	_ =	shalt  }
0x72: {  	_ =	shalt  }
0x73: {  	_ =	shalt  }
0x74: {  	_ =	shalt  }
0x75: {  	_ =	shalt  }
0x76: {  	_ =	shalt  }
0x77: {  	_ =	shalt  }
0x78: {  	_ =	shalt  }
0x79: {  	_ =	shalt  }
0x7a: {  	_ =	shalt  }
0x7b: {  	_ =	shalt  }
0x7c: {  	_ =	shalt  }
0x7d: {  	_ =	shalt  }
0x7e: {  	_ =	shalt  }
0x7f: {  	_ =	shalt  }
0x80: {  	_ =	shalt  }
0x81: {  	_ =	shalt  }
0x82: {  	_ =	shalt  }
0x83: {  	_ =	shalt  }
0x84: {  	_ =	shalt  }
0x85: {  	_ =	shalt  }
0x86: {  	_ =	shalt  }
0x87: {  	_ =	shalt  }
.Lfunc_end0:
.L_simem_size_0:
called_computation.2_lowered:
.L_overlay_start_0:
0x88: {  	s2 =	sld [smem:$0x3FD9]  }
0x89: {  	s3 =	sld [smem:$0x3FFE];
	_ =	sdelay $0x1  }
0x8a: {  	s1 =	srdreg.scid  }
0x8b: {  	s0 =	sand.u32 $0x1, s1  }
0x8c: {  	s16 =	sshll.u32 s0, $0xA;
	s2 =	sadd.s32 s3, s2  }
0x8d: {  	s2 =	sadd.s32 s2, s16  }
0x8e: {  	[smem:$0x3FB1] =	sst s2  }
0x8f: {  	_ = 	snop  }
0x90: {  	(tm) =	ssettm $0x1  }
0x91: {  	s17 =	sld [smem:$0x3FFB];
	_ =	sdelay $0x3  }
0x92: {  	_ =	strace s17  }
0x93: {  	s2 =	sld [smem:$0x3FFC];
	_ =	sdelay $0x3  }
0x94: {  	_ =	strace s2  }
0x95: {  	s2 =	sld [smem:$0x3FFD];
	_ =	sdelay $0x3  }
0x96: {  	_ =	strace s2  }
0x97: {  	_ =	strace $0x8FFFFFFF  }
0x98: {  	s18 =	sld [smem:$0x3FDB];
	_ =	sdelay $0x1  }
0x99: {  	s19 =	simm.s32 $_scs_section_size  }
0x9a: {  	s4 =	simm.s32 $_size__tile_overlayer_lowered;
	s5 =	simm.s32 $_tile_overlayer_lowered  }
0x9b: {  	s22 =	simm.s32 $0x1BFF;
	s21 =	sshll.u32 s5, $0x1;
	s2 =	sadd.s32 s19, s18  }
0x9c: {  	s6 =	simm.s32 $0x0;
	s20 =	sshll.u32 s4, $0x1;
	s4 =	sadd.s32 s21, s2  }
0x9d: {  	[timem:s6], [sflag:s22] =	dma.local [hbm:s4], s20  }
0x9e: {  	_ =	swait.ge [sflag:s22], s20  }
0x9f: {  	s3 =	ssub.s32 $0x0, s20;
	[sflag:s22] =	ssyncset.done $0x0  }
0xa0: {  	[sflag:s22] =	ssyncadd.s32 s3;
	_ =	sdelay $0x1  }
0xa1: {  	s23 =	simm.s32 $0x1B8B  }
0xa2: {  	_ =	swait.ge [sflag:s23], $0x1  }
0xa3: {  	[sflag:s23] =	ssyncset.done $0x0  }
0xa4: {  	s25 =	simm.s32 $0x1B8E;
	s24 =	sld [smem:$0x3FFE];
	[sflag:s23] =	ssyncadd.s32 $0xFFFFFFFF  }
0xa5: {  	s26 =	simm.s32 $execute0_lowered;
	[smem:$0x3FD2] =	sst s25  }
0xa6: {  	s4 =	sshll.u32 s26, $0x1;
	_ =	strace $0x8000004C;
	[dreg:$0x1] =	wrdreg $0xFFFFFFFF  }
0xa7: {  	s28 =	simm.s32 $_size_execute0_lowered;
	s2 =	sadd.s32 s2, s4;
	[dreg:$0x0] =	wrdreg $0x0  }
0xa8: {  	s4 =	sshll.u32 s28, $0x1;
	[dreg:$0x2] =	wrdreg s2  }
0xa9: {  	[dreg:$0x3] =	wrdreg s4  }
0xaa: {  	[dreg:$0x4] =	wrdreg $0xC0  }
0xab: {  	_ =	task [dreg:s6], $0x5FFFF  }
0xac: {  	[dreg:$0x1] =	wrdreg $0xFFFFFFFF  }
0xad: {  	[dreg:$0x0] =	wrdreg $0x60  }
0xae: {  	[dreg:$0x2] =	wrdreg s24  }
0xaf: {  	[dreg:$0x3] =	wrdreg $0x29000  }
0xb0: {  	[dreg:$0x4] =	wrdreg $0x9  }
0xb1: {  	_ =	task.clear_ibuf [dreg:s6], $0x5FFFF;
	_ =	strace $0x9000004C  }
0xb2: {  	s29 =	simm.s32 $0x9;
	_ =	strace $0x8000004E  }
0xb3: {  	_ =	swait.ge [sflag:s29], $0x1  }
0xb4: {  	[sflag:s29] =	ssyncadd.s32 $0xFFFFFFFF  }
0xb5: {  	_ =	strace $0x9000004E  }
0xb6: {  	_ =	sfence  }
0xb7: {  	s30 =	sld [smem:$0x0];
	_ =	sdelay $0x2  }
0xb8: {  	s31 =	sshll.u32 s1, $0xD;
	s1 =	sshrl.u32 s1, $0x2  }
0xb9: {  	s3 =	sand.u32 $0x4000, s31;
	s1 =	sadd.s32 s1, s30  }
0xba: {  	s0 =	sor.u32 s3, s0;
	s1 =	sshll.u32 s1, $0x11  }
0xbb: {  	s0 =	sor.u32 s1, s0  }
0xbc: {  	s0 =	sadd.s32 $0x8F2B, s0  }
0xbd: {  	[sflag:s0] =	ssyncadd.remote.s32 $0x1  }
0xbe: {  	_ =	sfence.sel $0xFFFF  }
0xbf: {  	[dreg:$0x0] =	wrdreg $0xFFFFFFFF;
	(pc) =	sbr.abs _section_cstart, $3  }
0xc0: {  	[dreg:$0x1] =	wrdreg $0xFFFFFFFF  }
0xc1: {  	_ =	task.clear_ibuf [dreg:s6], $0x2FFFF;
	_ =	strace $0x9FFFFFFF  }
0xc2: {  	(tm) =	ssettm $0x7FFFFFFF  }
0xc3: {  	_ =	shalt  }
tec
execute0_lowered:
.L_overlay_start_1:
0x0: {  	(tag) =	ssettag $0x1  }
0x1: {  	s1 =	srdreg.scid  }
0x2: {  	s0 =	stileid.u32;
	s5 =	rddreg [dreg:$0x0]  }
0x3: {  	s2 =	rddreg [dreg:$0x1];
	s3 =	simm.s32 $0x0;
	s13 =	simm.s32 $0x80  }
0x4: {  	s14 =	simm.s32 $0x50;
	s15 =	simm.s32 $0x100;
	s4 =	smul.u32 $0x4E20, s0  }
0x5: {  	s16 =	simm.s32 $0x1;
	s17 =	simm.s32 $0x0;
	s26 =	smul.u32 $0x14000, s0  }
0x6: {  	s6 =	sand.u32 $0x1, s1;
	s1 =	rddreg [dreg:$0x2];
	s29 =	smul.u32 $0x50000, s0  }
0x7: {  	[smem:$0x7FF] =	sst s3;
	s31 =	sshll.u32 s0, $0x6;
	s7 =	smul.u32 $0x2710, s6  }
0x8: {  	_ =	strace $0x8000004D;
	s9 =	smul.u32 $0x140000, s6;
	s6 =	ssub.s32 $0x2, s6  }
0x9: {  	s28 =	sshrl.u32 s26, $0x3;
	s11 =	sshrl.u32 s6, $0x1;
	s30 =	sshrl.u32 s29, $0x2  }
0xa: {  	s4 =	sadd.s32 s7, s4;
	s7 =	sadd.s32 s26, s9;
	s11 =	ssub.s32 s6, s11  }
0xb: {  	s12 =	sadd.s32 s30, s2;
	s6 =	sor.u32 $0x1C02, s31;
	s8 =	sshrl.u32 s4, $0x3  }
0xc: {  	s7 =	sshrl.u32 s7, $0x3;
	s10 =	sadd.s32 s8, s5;
	s8 =	sadd.s32 s28, s5  }
0xd: {  	s4 =	sadd.s32 $0x3FC00, s5;
	s7 =	sadd.s32 s7, s5;
	s5 =	sadd.s32 $0x17C00, s8  }
0xe: {  	s7 =	sadd.s32 $0x66E00, s7;
	s8 =	smax.u32 s11, $0x1;
	s9 =	sadd.s32 $0x4000, s10  }
0xf: {  	s10 =	sadd.s32 $0xDE00, s10;
	s11 =	sshrl.u32 s12, $0x3;
	s12 =	simm.s32 $0x2  }
.LBB2_1:
0x10: {  	[spmem:s11], [sflag:s6] =	dma.local [hbm:s5], $0x2800  }
0x11: {  	_ =	swait.ge [sflag:s12], $0x2800  }
0x12: {  	[sflag:s12] =	ssyncset.done $0x0  }
0x13: {  	[sflag:s12] =	ssyncadd.s32 $0xFFFFD800  }
0x14: {  	s18 =	sadd.s32 $0x0, s10;
	[bflag:$0x0] =	sbarrier.arrive $0xFFFF  }
0x15: {  	[tilespmem:s3], [sflag:$0x2] =	stream.linear.gather [hbm4b:s18+s3], $0x50, $0x38;
	[tilespmem:$0x16900] =	vst v63  }
0x16: {  	_ =	swait.ge [sflag:s12], $0x50  }
0x17: {  	[sflag:s12] =	ssyncset.done $0x0  }
0x18: {  	s31 =	sadd.s32 $0x0, s9;
	[sflag:s12] =	ssyncadd.s32 $0xFFFFFFB0  }
0x19: {  	[tilespmem:s13], [sflag:$0x2] =	stream.linear.gather [hbm4b:s31+s3], $0x50, $0x38;
	[tilespmem:$0x16900] =	vst v63  }
0x1a: {  	_ =	swait.ge [sflag:s12], $0x50  }
0x1b: {  	[sflag:s12] =	ssyncset.done $0x0  }
0x1c: {  	[sflag:s12] =	ssyncadd.s32 $0xFFFFFFB0  }
0x1d: {  	[tilespmem:s15], [sflag:$0x1] =	stream.indirect.gather [hbm4b:s4+s14], $0x80, s3, s14, $0xb8;
	[tilespmem:$0x16900] =	vst v63  }
0x1e: {  	_ =	swait.ge [sflag:s16], $0x2800  }
0x1f: {  	[sflag:s16] =	ssyncset.done $0x0  }
0x20: {  	[sflag:s16] =	ssyncadd.s32 $0xFFFFD800  }
0x21: {  	[spmem:s2] =	stream.indirect.scatter.add.f32 [tilespmem:s15], [sflag:$0x2], $0x80, s13, s14, $0xb8;
	[tilespmem:$0x16900] =	vst v63  }
0x22: {  	_ =	swait.ge [sflag:s12], $0x2800  }
0x23: {  	s19 =	simm.s32 $0x14;
	s18 =	simm.s32 $0xA;
	[sflag:s12] =	ssyncset.done $0x0  }
.LBB2_2:
0x24: {  	s20 =	sadd.s32 s18, s10  }
0x25: {  	[sflag:s12] =	ssyncadd.s32 $0xFFFFD800;
	s21 =	smov.u32 s19;
	s22 =	sadd.s32 $0xA, s19  }
0x26: {  	[tilespmem:s3], [sflag:$0x2] =	stream.linear.gather [hbm4b:s20+s3], $0x50, $0x38;
	[tilespmem:$0x16900] =	vst v63  }
0x27: {  	p0 =	sne.s32 s19, $0x4D8;
	_ =	swait.ge [sflag:s12], $0x50  }
0x28: {  	[sflag:s12] =	ssyncset.done $0x0  }
0x29: {  	s19 =	sadd.s32 s18, s9;
	s18 =	smov.u32 s21;
	[sflag:s12] =	ssyncadd.s32 $0xFFFFFFB0  }
0x2a: {  	[tilespmem:s13], [sflag:$0x2] =	stream.linear.gather [hbm4b:s19+s3], $0x50, $0x38;
	[tilespmem:$0x16900] =	vst v63  }
0x2b: {  	_ =	swait.ge [sflag:s12], $0x50  }
0x2c: {  	[sflag:s12] =	ssyncset.done $0x0  }
0x2d: {  	[sflag:s12] =	ssyncadd.s32 $0xFFFFFFB0  }
0x2e: {  	[tilespmem:s15], [sflag:$0x1] =	stream.indirect.gather [hbm4b:s4+s14], $0x80, s3, s14, $0xb8;
	[tilespmem:$0x16900] =	vst v63  }
0x2f: {  	_ =	swait.ge [sflag:s16], $0x2800  }
.Ltmp0:
0x30: {  	[sflag:s16] =	ssyncset.done $0x0;
	(pc) =	sbr.rel @p0 .LBB2_2-.Ltmp0, $4  }
0x31: {  	[sflag:s16] =	ssyncadd.s32 $0xFFFFD800  }
0x32: {  	[spmem:s2] =	stream.indirect.scatter.add.f32 [tilespmem:s15], [sflag:$0x2], $0x80, s13, s14, $0xb8;
	[tilespmem:$0x16900] =	vst v63  }
0x33: {  	_ =	swait.ge [sflag:s12], $0x2800  }
0x34: {  	s19 =	smov.u32 s22;
	[sflag:s12] =	ssyncset.done $0x0  }
0x35: {  	s19 =	sadd.s32 s18, s10;
	[sflag:s12] =	ssyncadd.s32 $0xFFFFD800  }
0x36: {  	[tilespmem:s3], [sflag:$0x2] =	stream.linear.gather [hbm4b:s19+s3], $0x50, $0x38;
	[tilespmem:$0x16900] =	vst v63  }
0x37: {  	_ =	swait.ge [sflag:s12], $0x50  }
0x38: {  	[sflag:s12] =	ssyncset.done $0x0  }
0x39: {  	s31 =	sadd.s32 s18, s9;
	[sflag:s12] =	ssyncadd.s32 $0xFFFFFFB0  }
0x3a: {  	[tilespmem:s13], [sflag:$0x2] =	stream.linear.gather [hbm4b:s31+s3], $0x50, $0x38;
	[tilespmem:$0x16900] =	vst v63  }
0x3b: {  	_ =	swait.ge [sflag:s12], $0x50  }
0x3c: {  	[sflag:s12] =	ssyncset.done $0x0  }
0x3d: {  	[sflag:s12] =	ssyncadd.s32 $0xFFFFFFB0  }
0x3e: {  	[tilespmem:s15], [sflag:$0x1] =	stream.indirect.gather [hbm4b:s4+s14], $0x80, s3, s14, $0xb8;
	[tilespmem:$0x16900] =	vst v63  }
0x3f: {  	_ =	swait.ge [sflag:s16], $0x2800  }
0x40: {  	[sflag:s16] =	ssyncset.done $0x0  }
0x41: {  	[sflag:s16] =	ssyncadd.s32 $0xFFFFD800  }
0x42: {  	[spmem:s2] =	stream.indirect.scatter.add.f32 [tilespmem:s15], [sflag:$0x2], $0x80, s13, s14, $0xb8;
	[tilespmem:$0x16900] =	vst v63  }
0x43: {  	_ =	swait.ge [sflag:s12], $0x2800  }
0x44: {  	s17 =	sadd.s32 $0x1, s17;
	[sflag:s12] =	ssyncset.done $0x0  }
0x45: {  	p0 =	sne.s32 s17, s8;
	[sflag:s12] =	ssyncadd.s32 $0xFFFFD800  }
.Ltmp1:
0x46: {  	[bflag:$0x0] =	sbarrier.arrive $0xFFFF;
	(pc) =	sbr.rel @p0 .LBB2_1-.Ltmp1, $4  }
0x47: {  	[hbm:s7], [sflag:s6] =	dma.local [spmem:s11], $0x2800  }
0x48: {  	_ =	swait.ge [sflag:s12], $0x2800  }
0x49: {  	[sflag:s12] =	ssyncset.done $0x0  }
0x4a: {  	[sflag:s12] =	ssyncadd.s32 $0xFFFFD800  }
0x4b: {  	_ =	sfence.sel $0x180000  }
0x4c: {  	[bflag:$0x0] =	sbarrier.arrive $0xFFFF  }
0x4d: {  	p0 =	sne.s32 s0, $0x0;
	_ =	strace $0x9000004D  }
0x4e: {  	s0 =	sadd.s32 @!p0 $0x100000, s1;
	[bflag:$0x2] =	sbarrier.arrive $0xFFFF  }
0x4f: {  	[sflag:s0] =	ssyncadd.tile.s32 @!p0 $0x1;
	_ =	shalt  }
.Lfunc_end2:
_tile_overlayer_lowered:
.L_overlay_start_2:
0x50: {  	(tag) =	ssettag $0x2  }
0x51: {  	s0 =	rddreg [dreg:$0x0];
	s2 =	stileid.u32  }
0x52: {  	s1 =	rddreg [dreg:$0x1];
	p0 =	sne.s32 s2, $0x0  }
0x53: {  	s3 =	rddreg [dreg:$0x2];
	[bflag:$0x3] =	sbarrier.arrive $0xFFFF;
	s2 =	simm.s32 @!p0 $0x1C02  }
0x54: {  	[timem:s3], [sflag:s2] =	dma.local @!p0 [hbm:s0], s1  }
0x55: {  	s0 =	simm.s32 @!p0 $0x2  }
0x56: {  	_ =	swait.ge @!p0 [sflag:s0], s1  }
0x57: {  	s1 =	ssub.s32 @!p0 $0x0, s1;
	[sflag:s0] =	ssyncset.done @!p0 $0x0  }
0x58: {  	[sflag:s0] =	ssyncadd.s32 @!p0 s1  }
0x59: {  	[bflag:$0x3] =	sbarrier.arrive $0xFFFF  }
0x5a: {  	_ =	shalt  }

// kernel: kernel.8.cloned.1.call-start
scs
__scs_entry_jumppad:
0x0: {  	(pc) =	sbr.rel $0x88, $3  }
0x1: {  	(tag) =	ssettag $0x0;
	lr =	simm.s32 $0x1  }
0x2: {  	[smem:$0x3F8A] =	sst lr;
	_ =	strace $0xD0000000  }
0x3: {  	_ = 	snop  }
0x4: {  	_ = 	snop  }
0x5: {  	_ = 	snop  }
0x6: {  	_ = 	snop  }
0x7: {  	_ = 	snop  }
__scs_overlays_trampoline_lowered:
0x8: {  	[smem:$0x3F99] =	sst s0  }
0x9: {  	[smem:$0x3F9A] =	sst s1  }
0xa: {  	[smem:$0x3F9B] =	sst s2  }
0xb: {  	[smem:$0x3F9C] =	sst s3  }
0xc: {  	[smem:$0x3F9D] =	sst s4  }
0xd: {  	[smem:$0x3F9E] =	sst s5  }
0xe: {  	[smem:$0x3F9F] =	sst s6  }
0xf: {  	[smem:$0x3FA0] =	sst s7  }
0x10: {  	[smem:$0x3FA1] =	sst s8  }
0x11: {  	[smem:$0x3FA2] =	sst s9;
	s0 =	simm.s32 @!p0 $0x0  }
0x12: {  	s1 =	sld [smem:$0x3F88];
	s0 =	simm.s32 @p0 $0x1  }
0x13: {  	[smem:$0x3FA3] =	sst s0;
	s0 =	simm.s32 @!p1 $0x0  }
0x14: {  	s2 =	sld [smem:$0x3F87];
	s0 =	simm.s32 @p1 $0x1  }
0x15: {  	[smem:$0x3FA4] =	sst s0;
	s0 =	simm.s32 @!p2 $0x0  }
0x16: {  	s3 =	sld [smem:$0x3FDB];
	s0 =	simm.s32 @p2 $0x1  }
0x17: {  	s4 =	simm.s32 $0x1BF5;
	[smem:$0x3FA6] =	sst s0  }
0x18: {  	s0 =	sld [smem:$0x3F89];
	_ =	swait.ge [sflag:s4], $0x0  }
0x19: {  	s7 =	sld [smem:$0x3F8A]  }
0x1a: {  	s8 =	sadd.s32 $0xFFFFE003, lr  }
0x1b: {  	s9 =	sadd.s32 $0xFFFFFEF7, lr;
	s5 =	simm.s32 $0xFFFFFFFF;
	p2 =	slt.u32 s8, $0xFFFFF086  }
0x1c: {  	p1 =	slt.u32 s9, $0xF7A;
	s5 =	simm.s32 @!p2 $0x0  }
0x1d: {  	s5 =	simm.s32 @p1 $0x1;
	p0 =	seq.s32 s7, s2  }
0x1e: {  	s7 =	smul.u32 @!p0 $0xF7A, s2;
	p2 =	seq.s32 @!p0 s5, $0x0  }
0x1f: {  	s9 =	smul.u32 $0xF7A, s1;
	s8 =	simm.s32 @!p0 $0x1BF5;
	p2 =	por !p2, p0  }
0x20: {  	[sflag:s8] =	ssyncset.s32 @!p0 $0xFFFFF086;
	s6 =	sadd.s32 @!p0 s3, s7;
	s7 =	simm.s32 @!p0 $0x108  }
0x21: {  	s3 =	sadd.s32 s3, s9;
	s6 =	sadd.s32 @!p0 $0x88, s6;
	s7 =	simm.s32 @p2 $0x1082  }
0x22: {  	[simem:s7], [sflag:s8] =	dma.local @!p0 [hbm:s6], $0xF7A  }
0x23: {  	s9 =	sor.u32 $0xD0000000, s2;
	s6 =	simm.s32 $0x108;
	_ =	swait.ge @!p0 [sflag:s8], $0x0  }
0x24: {  	s3 =	sadd.s32 $0x88, s3;
	s6 =	simm.s32 @!p1 $0x1082;
	[sflag:s4] =	ssyncset.s32 $0xFFFFF086  }
0x25: {  	[simem:s6], [sflag:s4] =	dma.local [hbm:s3], $0xF7A  }
0x26: {  	[smem:$0x3F8A] =	sst s1;
	(tag) =	ssettag s2;
	_ =	strace s9  }
0x27: {  	s1 =	sld [smem:$0x3F9A]  }
0x28: {  	s2 =	sld [smem:$0x3F9B]  }
0x29: {  	s4 =	sld [smem:$0x3F9D]  }
0x2a: {  	p0 =	seq.s32 s5, $0x0;
	s5 =	sld [smem:$0x3F9E]  }
0x2b: {  	s6 =	sld [smem:$0x3F9F]  }
0x2c: {  	s7 =	sld [smem:$0x3FA0]  }
0x2d: {  	s3 =	simm.s32 $0x108;
	s8 =	sld [smem:$0x3FA1]  }
0x2e: {  	s3 =	simm.s32 @!p0 $0x1082;
	s9 =	sld [smem:$0x3FA2]  }
0x2f: {  	lr =	sadd.s32 s0, s3;
	s0 =	sld [smem:$0x3F99]  }
0x30: {  	s3 =	sld [smem:$0x3F9C]  }
0x31: {  	[smem:$0x3FA5] =	sst s10  }
0x32: {  	s10 =	sld [smem:$0x3FA3];
	_ =	sdelay $0x3  }
0x33: {  	p0 =	seq.s32 s10, $0x1;
	s10 =	sld [smem:$0x3FA5];
	_ =	sdelay $0x3  }
0x34: {  	[smem:$0x3FA5] =	sst s10  }
0x35: {  	s10 =	sld [smem:$0x3FA4];
	_ =	sdelay $0x3  }
0x36: {  	p1 =	seq.s32 s10, $0x1;
	s10 =	sld [smem:$0x3FA5];
	_ =	sdelay $0x3  }
0x37: {  	[smem:$0x3FA5] =	sst s10  }
0x38: {  	s10 =	sld [smem:$0x3FA6]  }
0x39: {  	_ = 	snop;
	(pc) =	sbr.ind lr, $3  }
0x3a: {  	_ = 	snop  }
0x3b: {  	_ = 	snop  }
0x3c: {  	p2 =	seq.s32 s10, $0x1;
	s10 =	sld [smem:$0x3FA5]  }
0x3d: {  	_ =	shalt  }
0x3e: {  	_ =	shalt  }
0x3f: {  	_ =	shalt  }
0x40: {  	_ =	shalt  }
0x41: {  	_ =	shalt  }
0x42: {  	_ =	shalt  }
0x43: {  	_ =	shalt  }
0x44: {  	_ =	shalt  }
0x45: {  	_ =	shalt  }
0x46: {  	_ =	shalt  }
0x47: {  	_ =	shalt  }
0x48: {  	_ =	shalt  }
0x49: {  	_ =	shalt  }
0x4a: {  	_ =	shalt  }
0x4b: {  	_ =	shalt  }
0x4c: {  	_ =	shalt  }
0x4d: {  	_ =	shalt  }
0x4e: {  	_ =	shalt  }
0x4f: {  	_ =	shalt  }
0x50: {  	_ =	shalt  }
0x51: {  	_ =	shalt  }
0x52: {  	_ =	shalt  }
0x53: {  	_ =	shalt  }
0x54: {  	_ =	shalt  }
0x55: {  	_ =	shalt  }
0x56: {  	_ =	shalt  }
0x57: {  	_ =	shalt  }
0x58: {  	_ =	shalt  }
0x59: {  	_ =	shalt  }
0x5a: {  	_ =	shalt  }
0x5b: {  	_ =	shalt  }
0x5c: {  	_ =	shalt  }
0x5d: {  	_ =	shalt  }
0x5e: {  	_ =	shalt  }
0x5f: {  	_ =	shalt  }
0x60: {  	_ =	shalt  }
0x61: {  	_ =	shalt  }
0x62: {  	_ =	shalt  }
0x63: {  	_ =	shalt  }
0x64: {  	_ =	shalt  }
0x65: {  	_ =	shalt  }
0x66: {  	_ =	shalt  }
0x67: {  	_ =	shalt  }
0x68: {  	_ =	shalt  }
0x69: {  	_ =	shalt  }
0x6a: {  	_ =	shalt  }
0x6b: {  	_ =	shalt  }
0x6c: {  	_ =	shalt  }
0x6d: {  	_ =	shalt  }
0x6e: {  	_ =	shalt  }
0x6f: {  	_ =	shalt  }
0x70: {  	_ =	shalt  }
0x71: {  	_ =	shalt  }
0x72: {  	_ =	shalt  }
0x73: {  	_ =	shalt  }
0x74: {  	_ =	shalt  }
0x75: {  	_ =	shalt  }
0x76: {  	_ =	shalt  }
0x77: {  	_ =	shalt  }
0x78: {  	_ =	shalt  }
0x79: {  	_ =	shalt  }
0x7a: {  	_ =	shalt  }
0x7b: {  	_ =	shalt  }
0x7c: {  	_ =	shalt  }
0x7d: {  	_ =	shalt  }
0x7e: {  	_ =	shalt  }
0x7f: {  	_ =	shalt  }
0x80: {  	_ =	shalt  }
0x81: {  	_ =	shalt  }
0x82: {  	_ =	shalt  }
0x83: {  	_ =	shalt  }
0x84: {  	_ =	shalt  }
0x85: {  	_ =	shalt  }
0x86: {  	_ =	shalt  }
0x87: {  	_ =	shalt  }
.Lfunc_end0:
.L_simem_size_0:
called_computation_lowered:
.L_overlay_start_0:
0x88: {  	s2 =	sld [smem:$0x3FD9]  }
0x89: {  	s3 =	sld [smem:$0x3FFE];
	_ =	sdelay $0x1  }
0x8a: {  	s1 =	srdreg.scid  }
0x8b: {  	s0 =	sand.u32 $0x1, s1  }
0x8c: {  	s17 =	sshll.u32 s0, $0xA;
	s2 =	sadd.s32 s3, s2  }
0x8d: {  	s2 =	sadd.s32 s2, s17  }
0x8e: {  	[smem:$0x3FB1] =	sst s2  }
0x8f: {  	_ = 	snop  }
0x90: {  	s2 =	sld [smem:$0x3FC9];
	(tm) =	ssettm $0x1  }
0x91: {  	s18 =	sld [smem:$0x3FFB];
	_ =	sdelay $0x3  }
0x92: {  	_ =	strace s18  }
0x93: {  	s3 =	sld [smem:$0x3FFC];
	_ =	sdelay $0x3  }
0x94: {  	_ =	strace s3  }
0x95: {  	s3 =	sld [smem:$0x3FFD];
	_ =	sdelay $0x3  }
0x96: {  	_ =	strace s3  }
0x97: {  	_ =	strace $0x8FFFFFFF  }
0x98: {  	s19 =	sld [smem:$0x3FDB];
	_ =	sdelay $0x1  }
0x99: {  	s4 =	simm.s32 $_scs_section_size  }
0x9a: {  	s5 =	simm.s32 $_size__tile_overlayer_lowered;
	s6 =	simm.s32 $_tile_overlayer_lowered  }
0x9b: {  	s22 =	simm.s32 $0x1BFF;
	s21 =	sshll.u32 s6, $0x1;
	s3 =	sadd.s32 s4, s19  }
0x9c: {  	s7 =	simm.s32 $0x0;
	s20 =	sshll.u32 s5, $0x1;
	s5 =	sadd.s32 s21, s3  }
0x9d: {  	[timem:s7], [sflag:s22] =	dma.local [hbm:s5], s20  }
0x9e: {  	_ =	swait.ge [sflag:s22], s20  }
0x9f: {  	s4 =	ssub.s32 $0x0, s20;
	[sflag:s22] =	ssyncset.done $0x0  }
0xa0: {  	[sflag:s22] =	ssyncadd.s32 s4;
	_ =	sdelay $0x1  }
0xa1: {  	s23 =	simm.s32 $0x1B8B  }
0xa2: {  	_ =	swait.ge [sflag:s23], $0x1  }
0xa3: {  	[sflag:s23] =	ssyncset.done $0x0  }
0xa4: {  	s25 =	simm.s32 $0x1B8E;
	s24 =	sld [smem:$0x3FFE];
	[sflag:s23] =	ssyncadd.s32 $0xFFFFFFFF  }
0xa5: {  	s26 =	simm.s32 $execute0_lowered;
	[smem:$0x3FD2] =	sst s25  }
0xa6: {  	s5 =	sshll.u32 s26, $0x1;
	_ =	strace $0x80000046;
	[dreg:$0x1] =	wrdreg $0xFFFFFFFF  }
0xa7: {  	s28 =	simm.s32 $_size_execute0_lowered;
	s3 =	sadd.s32 s3, s5;
	[dreg:$0x0] =	wrdreg $0x0  }
0xa8: {  	s5 =	sshll.u32 s28, $0x1;
	[dreg:$0x2] =	wrdreg s3  }
0xa9: {  	[dreg:$0x3] =	wrdreg s5  }
0xaa: {  	[dreg:$0x4] =	wrdreg $0xC0  }
0xab: {  	_ =	task [dreg:s7], $0x5FFFF  }
0xac: {  	[dreg:$0x1] =	wrdreg $0xFFFFFFFF  }
0xad: {  	[dreg:$0x0] =	wrdreg $0x60  }
0xae: {  	[dreg:$0x2] =	wrdreg s2  }
0xaf: {  	[dreg:$0x3] =	wrdreg s24  }
0xb0: {  	[dreg:$0x4] =	wrdreg $0x29000  }
0xb1: {  	[dreg:$0x5] =	wrdreg $0x9  }
0xb2: {  	_ =	task.clear_ibuf [dreg:s7], $0x6FFFF;
	_ =	strace $0x90000046  }
0xb3: {  	s29 =	simm.s32 $0x9;
	_ =	strace $0x80000048  }
0xb4: {  	_ =	swait.ge [sflag:s29], $0x1  }
0xb5: {  	[sflag:s29] =	ssyncadd.s32 $0xFFFFFFFF  }
0xb6: {  	_ =	strace $0x90000048  }
0xb7: {  	_ =	sfence  }
0xb8: {  	s30 =	sld [smem:$0x0];
	_ =	sdelay $0x2  }
0xb9: {  	s31 =	sshll.u32 s1, $0xD;
	s1 =	sshrl.u32 s1, $0x2  }
0xba: {  	s3 =	sand.u32 $0x4000, s31;
	s1 =	sadd.s32 s1, s30  }
0xbb: {  	s0 =	sor.u32 s3, s0;
	s1 =	sshll.u32 s1, $0x11  }
0xbc: {  	s0 =	sor.u32 s1, s0  }
0xbd: {  	s0 =	sadd.s32 $0x8F2B, s0  }
0xbe: {  	[sflag:s0] =	ssyncadd.remote.s32 $0x1  }
0xbf: {  	_ =	sfence.sel $0xFFFF  }
0xc0: {  	[dreg:$0x0] =	wrdreg $0xFFFFFFFF;
	(pc) =	sbr.abs _section_cstart, $3  }
0xc1: {  	[dreg:$0x1] =	wrdreg $0xFFFFFFFF  }
0xc2: {  	_ =	task.clear_ibuf [dreg:s7], $0x2FFFF;
	_ =	strace $0x9FFFFFFF  }
0xc3: {  	(tm) =	ssettm $0x7FFFFFFF  }
tec
execute0_lowered:
.L_overlay_start_1:
0x0: {  	(tag) =	ssettag $0x1  }
0x1: {  	s1 =	rddreg [dreg:$0x0]  }
0x2: {  	s2 =	srdreg.scid;
	s5 =	rddreg [dreg:$0x1]  }
0x3: {  	s0 =	stileid.u32;
	s3 =	rddreg [dreg:$0x2];
	s4 =	simm.s32 $0x0  }
0x4: {  	s13 =	simm.s32 $0x80;
	s14 =	simm.s32 $0x50;
	s7 =	smul.u32 $0x4E20, s0  }
0x5: {  	s15 =	simm.s32 $0x100;
	s16 =	simm.s32 $0x1;
	s26 =	smul.u32 $0x14000, s0  }
0x6: {  	s6 =	sand.u32 $0x1, s2;
	s2 =	rddreg [dreg:$0x3];
	s29 =	smul.u32 $0x50000, s0  }
0x7: {  	s17 =	simm.s32 $0x0;
	[smem:$0x7FF] =	sst s4;
	s8 =	smul.u32 $0x2710, s6  }
0x8: {  	s31 =	sshll.u32 s0, $0x6;
	s9 =	smul.u32 $0x140000, s6;
	s6 =	ssub.s32 $0x2, s6  }
0x9: {  	_ =	strace $0x80000047;
	s28 =	sshrl.u32 s26, $0x3;
	s11 =	sshrl.u32 s6, $0x1  }
0xa: {  	s30 =	sshrl.u32 s29, $0x2;
	s7 =	sadd.s32 s8, s7;
	s8 =	sadd.s32 s26, s9  }
0xb: {  	s11 =	ssub.s32 s6, s11;
	s12 =	sadd.s32 s30, s3;
	s7 =	sshrl.u32 s7, $0x3  }
0xc: {  	s8 =	sshrl.u32 s8, $0x3;
	s10 =	sadd.s32 s7, s5;
	s7 =	sadd.s32 s28, s5  }
0xd: {  	s6 =	sor.u32 $0x1C02, s31;
	s8 =	sadd.s32 s8, s5;
	s5 =	sadd.s32 $0x17C00, s7  }
0xe: {  	s7 =	sadd.s32 $0x3FC00, s8;
	s8 =	smax.u32 s11, $0x1;
	s9 =	sadd.s32 $0x4000, s10  }
0xf: {  	s10 =	sadd.s32 $0xDE00, s10;
	s11 =	sshrl.u32 s12, $0x3;
	s12 =	simm.s32 $0x2  }
.LBB2_1:
0x10: {  	[spmem:s11], [sflag:s6] =	dma.local [hbm:s5], $0x2800  }
0x11: {  	_ =	swait.ge [sflag:s12], $0x2800  }
0x12: {  	[sflag:s12] =	ssyncset.done $0x0  }
0x13: {  	[sflag:s12] =	ssyncadd.s32 $0xFFFFD800  }
0x14: {  	s18 =	sadd.s32 $0x0, s10;
	[bflag:$0x0] =	sbarrier.arrive $0xFFFF  }
0x15: {  	[tilespmem:s4], [sflag:$0x2] =	stream.linear.gather [hbm4b:s18+s4], $0x50, $0x38;
	[tilespmem:$0x16900] =	vst v63  }
0x16: {  	_ =	swait.ge [sflag:s12], $0x50  }
0x17: {  	[sflag:s12] =	ssyncset.done $0x0  }
0x18: {  	s31 =	sadd.s32 $0x0, s9;
	[sflag:s12] =	ssyncadd.s32 $0xFFFFFFB0  }
0x19: {  	[tilespmem:s13], [sflag:$0x2] =	stream.linear.gather [hbm4b:s31+s4], $0x50, $0x38;
	[tilespmem:$0x16900] =	vst v63  }
0x1a: {  	_ =	swait.ge [sflag:s12], $0x50  }
0x1b: {  	[sflag:s12] =	ssyncset.done $0x0  }
0x1c: {  	[sflag:s12] =	ssyncadd.s32 $0xFFFFFFB0  }
0x1d: {  	[tilespmem:s15], [sflag:$0x1] =	stream.indirect.gather [hbm4b:s1+s14], $0x80, s4, s14, $0xb8;
	[tilespmem:$0x16900] =	vst v63  }
0x1e: {  	_ =	swait.ge [sflag:s16], $0x2800  }
0x1f: {  	[sflag:s16] =	ssyncset.done $0x0  }
0x20: {  	[sflag:s16] =	ssyncadd.s32 $0xFFFFD800  }
0x21: {  	[spmem:s3] =	stream.indirect.scatter.add.f32 [tilespmem:s15], [sflag:$0x2], $0x80, s13, s14, $0xb8;
	[tilespmem:$0x16900] =	vst v63  }
0x22: {  	_ =	swait.ge [sflag:s12], $0x2800  }
0x23: {  	s19 =	simm.s32 $0x14;
	s18 =	simm.s32 $0xA;
	[sflag:s12] =	ssyncset.done $0x0  }
.LBB2_2:
0x24: {  	s20 =	sadd.s32 s18, s10  }
0x25: {  	[sflag:s12] =	ssyncadd.s32 $0xFFFFD800;
	s21 =	smov.u32 s19;
	s22 =	sadd.s32 $0xA, s19  }
0x26: {  	[tilespmem:s4], [sflag:$0x2] =	stream.linear.gather [hbm4b:s20+s4], $0x50, $0x38;
	[tilespmem:$0x16900] =	vst v63  }
0x27: {  	p0 =	sne.s32 s19, $0x4D8;
	_ =	swait.ge [sflag:s12], $0x50  }
0x28: {  	[sflag:s12] =	ssyncset.done $0x0  }
0x29: {  	s19 =	sadd.s32 s18, s9;
	s18 =	smov.u32 s21;
	[sflag:s12] =	ssyncadd.s32 $0xFFFFFFB0  }
0x2a: {  	[tilespmem:s13], [sflag:$0x2] =	stream.linear.gather [hbm4b:s19+s4], $0x50, $0x38;
	[tilespmem:$0x16900] =	vst v63  }
0x2b: {  	_ =	swait.ge [sflag:s12], $0x50  }
0x2c: {  	[sflag:s12] =	ssyncset.done $0x0  }
0x2d: {  	[sflag:s12] =	ssyncadd.s32 $0xFFFFFFB0  }
0x2e: {  	[tilespmem:s15], [sflag:$0x1] =	stream.indirect.gather [hbm4b:s1+s14], $0x80, s4, s14, $0xb8;
	[tilespmem:$0x16900] =	vst v63  }
0x2f: {  	_ =	swait.ge [sflag:s16], $0x2800  }
.Ltmp0:
0x30: {  	[sflag:s16] =	ssyncset.done $0x0;
	(pc) =	sbr.rel @p0 .LBB2_2-.Ltmp0, $4  }
0x31: {  	[sflag:s16] =	ssyncadd.s32 $0xFFFFD800  }
0x32: {  	[spmem:s3] =	stream.indirect.scatter.add.f32 [tilespmem:s15], [sflag:$0x2], $0x80, s13, s14, $0xb8;
	[tilespmem:$0x16900] =	vst v63  }
0x33: {  	_ =	swait.ge [sflag:s12], $0x2800  }
0x34: {  	s19 =	smov.u32 s22;
	[sflag:s12] =	ssyncset.done $0x0  }
0x35: {  	s19 =	sadd.s32 s18, s10;
	[sflag:s12] =	ssyncadd.s32 $0xFFFFD800  }
0x36: {  	[tilespmem:s4], [sflag:$0x2] =	stream.linear.gather [hbm4b:s19+s4], $0x50, $0x38;
	[tilespmem:$0x16900] =	vst v63  }
0x37: {  	_ =	swait.ge [sflag:s12], $0x50  }
0x38: {  	[sflag:s12] =	ssyncset.done $0x0  }
0x39: {  	s31 =	sadd.s32 s18, s9;
	[sflag:s12] =	ssyncadd.s32 $0xFFFFFFB0  }
0x3a: {  	[tilespmem:s13], [sflag:$0x2] =	stream.linear.gather [hbm4b:s31+s4], $0x50, $0x38;
	[tilespmem:$0x16900] =	vst v63  }
0x3b: {  	_ =	swait.ge [sflag:s12], $0x50  }
0x3c: {  	[sflag:s12] =	ssyncset.done $0x0  }
0x3d: {  	[sflag:s12] =	ssyncadd.s32 $0xFFFFFFB0  }
0x3e: {  	[tilespmem:s15], [sflag:$0x1] =	stream.indirect.gather [hbm4b:s1+s14], $0x80, s4, s14, $0xb8;
	[tilespmem:$0x16900] =	vst v63  }
0x3f: {  	_ =	swait.ge [sflag:s16], $0x2800  }
0x40: {  	[sflag:s16] =	ssyncset.done $0x0  }
0x41: {  	[sflag:s16] =	ssyncadd.s32 $0xFFFFD800  }
0x42: {  	[spmem:s3] =	stream.indirect.scatter.add.f32 [tilespmem:s15], [sflag:$0x2], $0x80, s13, s14, $0xb8;
	[tilespmem:$0x16900] =	vst v63  }
0x43: {  	_ =	swait.ge [sflag:s12], $0x2800  }
0x44: {  	s17 =	sadd.s32 $0x1, s17;
	[sflag:s12] =	ssyncset.done $0x0  }
0x45: {  	p0 =	sne.s32 s17, s8;
	[sflag:s12] =	ssyncadd.s32 $0xFFFFD800  }
.Ltmp1:
0x46: {  	[bflag:$0x0] =	sbarrier.arrive $0xFFFF;
	(pc) =	sbr.rel @p0 .LBB2_1-.Ltmp1, $4  }
0x47: {  	[hbm:s7], [sflag:s6] =	dma.local [spmem:s11], $0x2800  }
0x48: {  	_ =	swait.ge [sflag:s12], $0x2800  }
0x49: {  	[sflag:s12] =	ssyncset.done $0x0  }
0x4a: {  	[sflag:s12] =	ssyncadd.s32 $0xFFFFD800  }
0x4b: {  	_ =	sfence.sel $0x180000  }
0x4c: {  	[bflag:$0x0] =	sbarrier.arrive $0xFFFF  }
0x4d: {  	p0 =	sne.s32 s0, $0x0;
	_ =	strace $0x90000047  }
0x4e: {  	s0 =	sadd.s32 @!p0 $0x100000, s2;
	[bflag:$0x2] =	sbarrier.arrive $0xFFFF  }
0x4f: {  	[sflag:s0] =	ssyncadd.tile.s32 @!p0 $0x1;
	_ =	shalt  }
.Lfunc_end2:
_tile_overlayer_lowered:
.L_overlay_start_2:
0x50: {  	(tag) =	ssettag $0x2  }
0x51: {  	s0 =	rddreg [dreg:$0x0];
	s2 =	stileid.u32  }
0x52: {  	s1 =	rddreg [dreg:$0x1];
	p0 =	sne.s32 s2, $0x0  }
0x53: {  	s3 =	rddreg [dreg:$0x2];
	[bflag:$0x3] =	sbarrier.arrive $0xFFFF;
	s2 =	simm.s32 @!p0 $0x1C02  }
0x54: {  	[timem:s3], [sflag:s2] =	dma.local @!p0 [hbm:s0], s1  }
0x55: {  	s0 =	simm.s32 @!p0 $0x2  }
0x56: {  	_ =	swait.ge @!p0 [sflag:s0], s1  }
0x57: {  	s1 =	ssub.s32 @!p0 $0x0, s1;
	[sflag:s0] =	ssyncset.done @!p0 $0x0  }
0x58: {  	[sflag:s0] =	ssyncadd.s32 @!p0 s1  }
0x59: {  	[bflag:$0x3] =	sbarrier.arrive $0xFFFF  }
0x5a: {  	_ =	shalt  }

</sc_bundles>
